<compile_context>
chip_gen: v7x
topology: tpu7x:2x2x1
jax: 0.10.2.dev20260603
libtpu: 0.0.44.dev20260713+nightly
codegen_flags: <defaults>
</compile_context>

<pallas_src>
import dataclasses
import functools

import jax
import jax.numpy as jnp
from jax import lax
from jax.experimental import pallas as pl
from jax.experimental.pallas import tpu as pltpu
from jax.experimental.pallas import tpu_sc as plsc

N_NODES = 10000
N_EDGES = 320000
IN_CH = 128
OUT_CH = 128
HID = 256

NC = 2
NS = 16
NW = NC * NS
EPW = N_EDGES // NW
CH = 80
NCH = 125
ACC_ROWS = N_NODES
NDR = 10
RPT = N_NODES // NDR

_sc_mesh = plsc.VectorSubcoreMesh(core_axis_name="c", subcore_axis_name="s")

_sc_params = pltpu.CompilerParams()
if "needs_layout_passes" in pltpu.CompilerParams.__dataclass_fields__:
    _sc_params = dataclasses.replace(_sc_params, needs_layout_passes=False)


@functools.partial(
    pl.kernel,
    out_type=jax.ShapeDtypeStruct((NW, N_NODES), jnp.float32),
    mesh=_sc_mesh,
    scratch_types=[
        pltpu.VMEM((N_NODES,), jnp.float32),
        pltpu.VMEM((EPW,), jnp.int32),
        pltpu.SemaphoreType.DMA,
    ],
    compiler_params=_sc_params,
)
def _hist_kernel(dst_hbm, out_hbm, deg_v, idx_v, sem):
    cid = lax.axis_index("c")
    sid = lax.axis_index("s")
    wid = cid * NS + sid
    pltpu.async_copy(dst_hbm.at[pl.ds(wid * EPW, EPW)], idx_v, sem).wait()

    @pl.loop(0, N_NODES, step=16)
    def _zero(i):
        deg_v[pl.ds(i, 16)] = jnp.zeros((16,), jnp.float32)

    ones = jnp.ones((16,), jnp.float32)

    @pl.loop(0, EPW, step=16)
    def _acc(i):
        plsc.addupdate_scatter(deg_v, [idx_v[pl.ds(i, 16)]], ones)

    pltpu.sync_copy(deg_v, out_hbm.at[wid])


def _make_prop():
    @functools.partial(
        pl.kernel,
        out_type=jax.ShapeDtypeStruct((NC, N_NODES, IN_CH), jnp.float32),
        mesh=_sc_mesh,
        scratch_types=[
            pltpu.VMEM((EPW,), jnp.int32),
            pltpu.VMEM((NCH, CH), jnp.int32),
            pltpu.VMEM((CH, IN_CH), jnp.float32),
            pltpu.VMEM((CH, IN_CH), jnp.float32),
            pltpu.VMEM_SHARED((ACC_ROWS, IN_CH), jnp.float32),
            pltpu.SemaphoreType.DMA,
            pltpu.SemaphoreType.DMA,
            pltpu.SemaphoreType.DMA,
        ],
    )
    def _prop(src_hbm, dst_hbm, xs_hbm, zeros_hbm, out_hbm,
              src_v, dst_v, rows_a, rows_b, acc_sh, sem_i, sga, sgb):
        cid = lax.axis_index("c")
        sid = lax.axis_index("s")
        wid = cid * NS + sid
        pltpu.async_copy(src_hbm.at[wid], src_v, sem_i).wait()
        pltpu.async_copy(dst_hbm.at[wid], dst_v, sem_i).wait()

        @pl.when(sid < NDR)
        def _zero():
            pltpu.sync_copy(zeros_hbm, acc_sh.at[pl.ds(sid * RPT, RPT)])

        plsc.subcore_barrier()

        def _gstart(c, buf, sem):
            pltpu.async_copy(xs_hbm.at[src_v.at[pl.ds(c * CH, CH)]], buf, sem)

        def _gwait(c, buf, sem):
            pltpu.make_async_copy(
                xs_hbm.at[src_v.at[pl.ds(c * CH, CH)]], buf, sem).wait()

        _gstart(0, rows_a, sga)

        @pl.loop(0, NCH - 1, step=2)
        def _pair(c0):
            _gwait(c0, rows_a, sga)
            _gstart(c0 + 1, rows_b, sgb)
            pltpu.sync_copy(rows_a, acc_sh.at[dst_v.at[c0]], add=True)
            _gwait(c0 + 1, rows_b, sgb)
            _gstart(c0 + 2, rows_a, sga)
            pltpu.sync_copy(rows_b, acc_sh.at[dst_v.at[c0 + 1]], add=True)

        _gwait(NCH - 1, rows_a, sga)
        pltpu.sync_copy(rows_a, acc_sh.at[dst_v.at[NCH - 1]], add=True)
        plsc.subcore_barrier()

        @pl.when(sid < NDR)
        def _drain():
            pltpu.sync_copy(acc_sh.at[pl.ds(sid * RPT, RPT)],
                            out_hbm.at[cid, pl.ds(sid * RPT, RPT)])

    return _prop


_prop_kernel = _make_prop()
_prop_kernel_b = _make_prop()


def _pre_body(hist_ref, x_ref, xs_ref, dis_ref):
    ones = jnp.ones((NW, 1), jnp.float32)
    deg = lax.dot_general(hist_ref[...], ones, (((0,), (0,)), ((), ())),
                          precision=lax.Precision.HIGHEST,
                          preferred_element_type=jnp.float32)
    dis = lax.rsqrt(deg + 1.0)
    dis_ref[...] = dis
    xs_ref[...] = x_ref[...] * dis


_pre_call = pl.pallas_call(
    _pre_body,
    out_shape=(
        jax.ShapeDtypeStruct((N_NODES, IN_CH), jnp.float32),
        jax.ShapeDtypeStruct((N_NODES, 1), jnp.float32),
    ),
)


_BLK = 1000


def _mm_body(acc_ref, xs_ref, dis_ref, w1_ref, b1_ref, w2_ref, o_ref):
    a = (acc_ref[0] + acc_ref[1] + xs_ref[...]) * dis_ref[...]
    h = jnp.dot(a, w1_ref[...], preferred_element_type=jnp.float32)
    h = jnp.maximum(h + b1_ref[...], 0.0)
    t = jnp.dot(h, w2_ref[...], preferred_element_type=jnp.float32)
    o_ref[...] = t * dis_ref[...]


_mm_call = pl.pallas_call(
    _mm_body,
    grid=(N_NODES // _BLK,),
    in_specs=[
        pl.BlockSpec((NC, _BLK, IN_CH), lambda i: (0, i, 0)),
        pl.BlockSpec((_BLK, IN_CH), lambda i: (i, 0)),
        pl.BlockSpec((_BLK, 1), lambda i: (i, 0)),
        pl.BlockSpec((IN_CH, HID), lambda i: (0, 0)),
        pl.BlockSpec((1, HID), lambda i: (0, 0)),
        pl.BlockSpec((HID, OUT_CH), lambda i: (0, 0)),
    ],
    out_specs=pl.BlockSpec((_BLK, OUT_CH), lambda i: (i, 0)),
    out_shape=jax.ShapeDtypeStruct((N_NODES, OUT_CH), jnp.float32),
)


def _fin_body(acc_ref, ts_ref, dis_ref, b2_ref, o_ref):
    o_ref[...] = (acc_ref[0] + acc_ref[1] + ts_ref[...]) * dis_ref[...] + b2_ref[...]


_fin_call = pl.pallas_call(
    _fin_body,
    grid=(N_NODES // _BLK,),
    in_specs=[
        pl.BlockSpec((NC, _BLK, OUT_CH), lambda i: (0, i, 0)),
        pl.BlockSpec((_BLK, OUT_CH), lambda i: (i, 0)),
        pl.BlockSpec((_BLK, 1), lambda i: (i, 0)),
        pl.BlockSpec((1, OUT_CH), lambda i: (0, 0)),
    ],
    out_specs=pl.BlockSpec((_BLK, OUT_CH), lambda i: (i, 0)),
    out_shape=jax.ShapeDtypeStruct((N_NODES, OUT_CH), jnp.float32),
)


def kernel(x, edge_index, W1, b1, W2, b2):
    ei = edge_index.astype(jnp.int32)
    src3 = ei[0].reshape(NW, EPW)
    dst_full = ei[1].reshape(NW, NCH, CH)

    hist = _hist_kernel(ei[1])
    xs, dis_col = _pre_call(hist, x)

    zeros = jnp.zeros((RPT, IN_CH), jnp.float32)
    acc1 = _prop_kernel(src3, dst_full, xs, zeros)
    ts = _mm_call(acc1, xs, dis_col, W1, b1.reshape(1, HID), W2)
    acc2 = _prop_kernel_b(src3, dst_full, ts, zeros)
    return _fin_call(acc2, ts, dis_col, b2.reshape(1, OUT_CH))

# --- scband reference (transcript-rebuilt; emitter-appended) ---
"""Pipeline reference for scband-gaencoder-21122649162479 (READ-ONLY COPY).

The authoritative reference and input builder live on the scoring server;
editing this copy changes nothing except your own understanding.
"""

import jax, jax.numpy as jnp
import numpy as np

N_NODES = 10000
N_EDGES = 320000
IN_CH = 128
OUT_CH = 128
HID = 2 * OUT_CH


def setup_inputs(seed: int = 0) -> dict:
    key = jax.random.key(seed)
    k1, k2, k3, k4, k5, k6 = jax.random.split(key, 6)
    x = jax.random.normal(k1, (N_NODES, IN_CH), dtype=jnp.float32)
    edge_index = jax.random.randint(k2, (2, N_EDGES), 0, N_NODES, dtype=jnp.int64)
    # Glorot-initialized weights, zero biases (as in torch_geometric GCNConv defaults)
    s1 = (6.0 / (IN_CH + HID)) ** 0.5
    W1 = jax.random.uniform(k3, (IN_CH, HID), dtype=jnp.float32, minval=-s1, maxval=s1)
    b1 = jnp.zeros((HID,), dtype=jnp.float32)
    s2 = (6.0 / (HID + OUT_CH)) ** 0.5
    W2 = jax.random.uniform(k4, (HID, OUT_CH), dtype=jnp.float32, minval=-s2, maxval=s2)
    b2 = jnp.zeros((OUT_CH,), dtype=jnp.float32)
    return {"x": x, "edge_index": edge_index, "W1": W1, "b1": b1, "W2": W2, "b2": b2}


def _gcn_conv(x, src, dst, W, b, num_nodes):
    # x' = D^{-1/2} (A + I) D^{-1/2} X W + b  (self-loops already appended to src/dst)
    h = x @ W
    deg = jnp.zeros((num_nodes,), dtype=h.dtype).at[dst].add(1.0)
    deg_inv_sqrt = jnp.where(deg > 0, 1.0 / jnp.sqrt(deg), 0.0)
    norm = deg_inv_sqrt[src] * deg_inv_sqrt[dst]
    msg = h[src] * norm[:, None]
    out = jnp.zeros((num_nodes, W.shape[1]), dtype=h.dtype).at[dst].add(msg)
    return out + b


def reference(x, edge_index, W1, b1, W2, b2):
    num_nodes = x.shape[0]
    loop = jnp.arange(num_nodes, dtype=edge_index.dtype)
    src = jnp.concatenate([edge_index[0], loop])
    dst = jnp.concatenate([edge_index[1], loop])
    h = _gcn_conv(x, src, dst, W1, b1, num_nodes)
    h = jax.nn.relu(h)
    out = _gcn_conv(h, src, dst, W2, b2, num_nodes)
    return out

if __name__ == "__main__":
    import jax
    _d = setup_inputs()
    print(jax.jit(kernel)(*tuple(_d.values())))

</pallas_src>

<mosaic_0001>
#map = affine_map<(d0, d1) -> (0)>
#map1 = affine_map<(d0, d1) -> (0, 0)>
module attributes {stable_mosaic.version = 14 : i64} {
  func.func @_hist_kernel(%arg0: i32, %arg1: i32, %arg2: memref<320000xi32, #tpu.memory_space<hbm>>, %arg3: memref<32x10000xf32, #tpu.memory_space<hbm>>, %arg4: memref<10000xf32, #tpu.memory_space<vmem>>, %arg5: memref<10000xi32, #tpu.memory_space<vmem>>, %arg6: memref<!tpu.dma_semaphore, #tpu.memory_space<semaphore_mem>>) attributes {dimension_semantics = [#tpu.dimension_semantics<core_parallel>, #tpu.dimension_semantics<subcore_parallel>], iteration_bounds = array<i64: 2, 16>, scalar_prefetch = 0 : i64, scratch_operands = 3 : i64, tpu.core_type = #tpu.core_type<sc_vector_subcore>, window_params = [{transform_indices = #map}, {transform_indices = #map1}]} {
    %mul3A = arith.constant 16 : i32
    %mul3A_0 = arith.muli %arg0, %mul3A : i32
    %add3A = arith.addi %mul3A_0, %arg1 : i32
    %mul3A_1 = arith.constant 10000 : i32
    %mul3A_2 = arith.muli %add3A, %mul3A_1 : i32
    %dma_start3A = tpu.memref_slice %arg2[%mul3A_2] : memref<320000xi32, #tpu.memory_space<hbm>> -> memref<10000xi32, #tpu.memory_space<hbm>>
    %dma_start3A_3 = tpu.memref_slice %arg2[%mul3A_2] : memref<320000xi32, #tpu.memory_space<hbm>> -> memref<10000xi32, #tpu.memory_space<hbm>>
    tpu.enqueue_dma source(%dma_start3A_3 : memref<10000xi32, #tpu.memory_space<hbm>>) target(%arg5 : memref<10000xi32, #tpu.memory_space<vmem>>) target_semaphore(%arg6 : memref<!tpu.dma_semaphore, #tpu.memory_space<semaphore_mem>>)
    %dma_wait3A = tpu.memref_slice %arg2[%mul3A_2] : memref<320000xi32, #tpu.memory_space<hbm>> -> memref<10000xi32, #tpu.memory_space<hbm>>
    %dma_wait3A_4 = tpu.memref_slice %arg2[%mul3A_2] : memref<320000xi32, #tpu.memory_space<hbm>> -> memref<10000xi32, #tpu.memory_space<hbm>>
    tpu.wait_dma2 semaphore(%arg6 : memref<!tpu.dma_semaphore, #tpu.memory_space<semaphore_mem>>) src(%dma_wait3A_4 : memref<10000xi32, #tpu.memory_space<hbm>>) dst(%arg5 : memref<10000xi32, #tpu.memory_space<vmem>>)
    %scan3A = arith.constant 0 : i32
    %scan3A_5 = arith.constant 625 : i32
    %scan3A_6 = arith.addi %scan3A, %scan3A_5 : i32
    %scan3A_7 = arith.constant 1 : i32
    scf.for %scan3A_15 = %scan3A to %scan3A_6 step %scan3A_7  : i32 {
      %mul3A_16 = arith.constant 16 : i32
      %mul3A_17 = arith.muli %scan3A_15, %mul3A_16 : i32
      %add3A_18 = arith.constant 0 : i32
      %add3A_19 = arith.addi %add3A_18, %mul3A_17 : i32
      %broadcast_in_dim3A_20 = arith.constant 0.000000e+00 : f32
      %broadcast_in_dim3A_21 = vector.broadcast %broadcast_in_dim3A_20 : f32 to vector<16xf32>
      %swap3A = arith.index_cast %add3A_19 : i32 to index
      %swap3A_22 = tpu.vector_load %arg4[%swap3A] {strides = array<i32>} : memref<10000xf32, #tpu.memory_space<vmem>>, vector<16xf32>,
      tpu.vector_store %arg4[%swap3A], %broadcast_in_dim3A_21 {strides = array<i32>} : memref<10000xf32, #tpu.memory_space<vmem>>, vector<16xf32>,
    }
    %scan3A_8 = arith.constant 625 : i32
    %broadcast_in_dim3A = arith.constant 1.000000e+00 : f32
    %broadcast_in_dim3A_9 = vector.broadcast %broadcast_in_dim3A : f32 to vector<16xf32>
    %scan3A_10 = arith.constant 0 : i32
    %scan3A_11 = arith.constant 625 : i32
    %scan3A_12 = arith.addi %scan3A_10, %scan3A_11 : i32
    %scan3A_13 = arith.constant 1 : i32
    scf.for %scan3A_15 = %scan3A_10 to %scan3A_12 step %scan3A_13  : i32 {
      %mul3A_16 = arith.constant 16 : i32
      %mul3A_17 = arith.muli %scan3A_15, %mul3A_16 : i32
      %add3A_18 = arith.constant 0 : i32
      %add3A_19 = arith.addi %add3A_18, %mul3A_17 : i32
      %get3A = arith.index_cast %add3A_19 : i32 to index
      %get3A_20 = tpu.vector_load %arg5[%get3A] {strides = array<i32>} : memref<10000xi32, #tpu.memory_space<vmem>>, vector<16xi32>,
      tpu.vector_store_idx %arg4[%get3A_20], %broadcast_in_dim3A_9 {add = true} : memref<10000xf32, #tpu.memory_space<vmem>>[vector<16xi32>], vector<16xf32>,
    }
    %scan3A_14 = arith.constant 625 : i32
    "tpu.region"() ({
      %run_scoped3A = tpu.sem_alloc : memref<!tpu.dma_semaphore, #tpu.memory_space<semaphore_mem>>
      %dma_start3A_15 = arith.constant 0 : i32
      %dma_start3A_16 = tpu.memref_slice %arg3[%add3A, %dma_start3A_15] : memref<32x10000xf32, #tpu.memory_space<hbm>> -> memref<1x10000xf32, #tpu.memory_space<hbm>>
      %dma_start3A_17 = tpu.memref_squeeze %dma_start3A_16 : memref<1x10000xf32, #tpu.memory_space<hbm>> -> memref<10000xf32, #tpu.memory_space<hbm>>
      %dma_start3A_18 = arith.constant 0 : i32
      %dma_start3A_19 = tpu.memref_slice %arg3[%add3A, %dma_start3A_18] : memref<32x10000xf32, #tpu.memory_space<hbm>> -> memref<1x10000xf32, #tpu.memory_space<hbm>>
      %dma_start3A_20 = tpu.memref_squeeze %dma_start3A_19 : memref<1x10000xf32, #tpu.memory_space<hbm>> -> memref<10000xf32, #tpu.memory_space<hbm>>
      tpu.enqueue_dma source(%arg4 : memref<10000xf32, #tpu.memory_space<vmem>>) target(%dma_start3A_20 : memref<10000xf32, #tpu.memory_space<hbm>>) target_semaphore(%run_scoped3A : memref<!tpu.dma_semaphore, #tpu.memory_space<semaphore_mem>>)
      %dma_wait3A_21 = arith.constant 0 : i32
      %dma_wait3A_22 = tpu.memref_slice %arg3[%add3A, %dma_wait3A_21] : memref<32x10000xf32, #tpu.memory_space<hbm>> -> memref<1x10000xf32, #tpu.memory_space<hbm>>
      %dma_wait3A_23 = tpu.memref_squeeze %dma_wait3A_22 : memref<1x10000xf32, #tpu.memory_space<hbm>> -> memref<10000xf32, #tpu.memory_space<hbm>>
      %dma_wait3A_24 = arith.constant 0 : i32
      %dma_wait3A_25 = tpu.memref_slice %arg3[%add3A, %dma_wait3A_24] : memref<32x10000xf32, #tpu.memory_space<hbm>> -> memref<1x10000xf32, #tpu.memory_space<hbm>>
      %dma_wait3A_26 = tpu.memref_squeeze %dma_wait3A_25 : memref<1x10000xf32, #tpu.memory_space<hbm>> -> memref<10000xf32, #tpu.memory_space<hbm>>
      tpu.wait_dma2 semaphore(%run_scoped3A : memref<!tpu.dma_semaphore, #tpu.memory_space<semaphore_mem>>) src(%arg4 : memref<10000xf32, #tpu.memory_space<vmem>>) dst(%dma_wait3A_26 : memref<10000xf32, #tpu.memory_space<hbm>>)
      tpu.yield
    }) : () -> ()
    return
  }
}

#map = affine_map<(d0, d1) -> (0, 0)>
#map1 = affine_map<(d0, d1) -> (0, 0, 0)>
module attributes {stable_mosaic.version = 14 : i64} {
  func.func @_prop(%arg0: i32, %arg1: i32, %arg2: memref<32x10000xi32, #tpu.memory_space<hbm>>, %arg3: memref<32x125x80xi32, #tpu.memory_space<hbm>>, %arg4: memref<10000x128xf32, #tpu.memory_space<hbm>>, %arg5: memref<1000x128xf32, #tpu.memory_space<hbm>>, %arg6: memref<2x10000x128xf32, #tpu.memory_space<hbm>>, %arg7: memref<10000xi32, #tpu.memory_space<vmem>>, %arg8: memref<125x80xi32, #tpu.memory_space<vmem>>, %arg9: memref<80x128xf32, #tpu.memory_space<vmem>>, %arg10: memref<80x128xf32, #tpu.memory_space<vmem>>, %arg11: memref<10000x128xf32, #tpu.memory_space<vmem_shared>>, %arg12: memref<!tpu.dma_semaphore, #tpu.memory_space<semaphore_mem>>, %arg13: memref<!tpu.dma_semaphore, #tpu.memory_space<semaphore_mem>>, %arg14: memref<!tpu.dma_semaphore, #tpu.memory_space<semaphore_mem>>) attributes {dimension_semantics = [#tpu.dimension_semantics<core_parallel>, #tpu.dimension_semantics<subcore_parallel>], iteration_bounds = array<i64: 2, 16>, scalar_prefetch = 0 : i64, scratch_operands = 8 : i64, tpu.core_type = #tpu.core_type<sc_vector_subcore>, window_params = [{transform_indices = #map}, {transform_indices = #map1}, {transform_indices = #map}, {transform_indices = #map}, {transform_indices = #map1}]} {
    %mul3A = arith.constant 16 : i32
    %mul3A_0 = arith.muli %arg0, %mul3A : i32
    %add3A = arith.addi %mul3A_0, %arg1 : i32
    %dma_start3A = arith.constant 0 : i32
    %dma_start3A_1 = tpu.memref_slice %arg2[%add3A, %dma_start3A] : memref<32x10000xi32, #tpu.memory_space<hbm>> -> memref<1x10000xi32, #tpu.memory_space<hbm>>
    %dma_start3A_2 = tpu.memref_squeeze %dma_start3A_1 : memref<1x10000xi32, #tpu.memory_space<hbm>> -> memref<10000xi32, #tpu.memory_space<hbm>>
    %dma_start3A_3 = arith.constant 0 : i32
    %dma_start3A_4 = tpu.memref_slice %arg2[%add3A, %dma_start3A_3] : memref<32x10000xi32, #tpu.memory_space<hbm>> -> memref<1x10000xi32, #tpu.memory_space<hbm>>
    %dma_start3A_5 = tpu.memref_squeeze %dma_start3A_4 : memref<1x10000xi32, #tpu.memory_space<hbm>> -> memref<10000xi32, #tpu.memory_space<hbm>>
    tpu.enqueue_dma source(%dma_start3A_5 : memref<10000xi32, #tpu.memory_space<hbm>>) target(%arg7 : memref<10000xi32, #tpu.memory_space<vmem>>) target_semaphore(%arg12 : memref<!tpu.dma_semaphore, #tpu.memory_space<semaphore_mem>>)
    %dma_wait3A = arith.constant 0 : i32
    %dma_wait3A_6 = tpu.memref_slice %arg2[%add3A, %dma_wait3A] : memref<32x10000xi32, #tpu.memory_space<hbm>> -> memref<1x10000xi32, #tpu.memory_space<hbm>>
    %dma_wait3A_7 = tpu.memref_squeeze %dma_wait3A_6 : memref<1x10000xi32, #tpu.memory_space<hbm>> -> memref<10000xi32, #tpu.memory_space<hbm>>
    %dma_wait3A_8 = arith.constant 0 : i32
    %dma_wait3A_9 = tpu.memref_slice %arg2[%add3A, %dma_wait3A_8] : memref<32x10000xi32, #tpu.memory_space<hbm>> -> memref<1x10000xi32, #tpu.memory_space<hbm>>
    %dma_wait3A_10 = tpu.memref_squeeze %dma_wait3A_9 : memref<1x10000xi32, #tpu.memory_space<hbm>> -> memref<10000xi32, #tpu.memory_space<hbm>>
    tpu.wait_dma2 semaphore(%arg12 : memref<!tpu.dma_semaphore, #tpu.memory_space<semaphore_mem>>) src(%dma_wait3A_10 : memref<10000xi32, #tpu.memory_space<hbm>>) dst(%arg7 : memref<10000xi32, #tpu.memory_space<vmem>>)
    %dma_start3A_11 = arith.constant 0 : i32
    %dma_start3A_12 = arith.constant 0 : i32
    %dma_start3A_13 = tpu.memref_slice %arg3[%add3A, %dma_start3A_11, %dma_start3A_12] : memref<32x125x80xi32, #tpu.memory_space<hbm>> -> memref<1x125x80xi32, #tpu.memory_space<hbm>>
    %dma_start3A_14 = tpu.memref_squeeze %dma_start3A_13 : memref<1x125x80xi32, #tpu.memory_space<hbm>> -> memref<125x80xi32, #tpu.memory_space<hbm>>
    %dma_start3A_15 = arith.constant 0 : i32
    %dma_start3A_16 = arith.constant 0 : i32
    %dma_start3A_17 = tpu.memref_slice %arg3[%add3A, %dma_start3A_15, %dma_start3A_16] : memref<32x125x80xi32, #tpu.memory_space<hbm>> -> memref<1x125x80xi32, #tpu.memory_space<hbm>>
    %dma_start3A_18 = tpu.memref_squeeze %dma_start3A_17 : memref<1x125x80xi32, #tpu.memory_space<hbm>> -> memref<125x80xi32, #tpu.memory_space<hbm>>
    tpu.enqueue_dma source(%dma_start3A_18 : memref<125x80xi32, #tpu.memory_space<hbm>>) target(%arg8 : memref<125x80xi32, #tpu.memory_space<vmem>>) target_semaphore(%arg12 : memref<!tpu.dma_semaphore, #tpu.memory_space<semaphore_mem>>)
    %dma_wait3A_19 = arith.constant 0 : i32
    %dma_wait3A_20 = arith.constant 0 : i32
    %dma_wait3A_21 = tpu.memref_slice %arg3[%add3A, %dma_wait3A_19, %dma_wait3A_20] : memref<32x125x80xi32, #tpu.memory_space<hbm>> -> memref<1x125x80xi32, #tpu.memory_space<hbm>>
    %dma_wait3A_22 = tpu.memref_squeeze %dma_wait3A_21 : memref<1x125x80xi32, #tpu.memory_space<hbm>> -> memref<125x80xi32, #tpu.memory_space<hbm>>
    %dma_wait3A_23 = arith.constant 0 : i32
    %dma_wait3A_24 = arith.constant 0 : i32
    %dma_wait3A_25 = tpu.memref_slice %arg3[%add3A, %dma_wait3A_23, %dma_wait3A_24] : memref<32x125x80xi32, #tpu.memory_space<hbm>> -> memref<1x125x80xi32, #tpu.memory_space<hbm>>
    %dma_wait3A_26 = tpu.memref_squeeze %dma_wait3A_25 : memref<1x125x80xi32, #tpu.memory_space<hbm>> -> memref<125x80xi32, #tpu.memory_space<hbm>>
    tpu.wait_dma2 semaphore(%arg12 : memref<!tpu.dma_semaphore, #tpu.memory_space<semaphore_mem>>) src(%dma_wait3A_26 : memref<125x80xi32, #tpu.memory_space<hbm>>) dst(%arg8 : memref<125x80xi32, #tpu.memory_space<vmem>>)
    %lt3A = arith.constant 10 : i32
    %lt3A_27 = arith.cmpi slt, %arg1, %lt3A : i32
    %convert_element_type3A = arith.extui %lt3A_27 : i1 to i32
    %cond3A = arith.constant 0 : i32
    %cond3A_28 = arith.cmpi ne, %convert_element_type3A, %cond3A : i32
    scf.if %cond3A_28 {
      %mul3A_49 = arith.constant 1000 : i32
      %mul3A_50 = arith.muli %arg1, %mul3A_49 : i32
      "tpu.region"() ({
        %run_scoped3A_51 = tpu.sem_alloc : memref<!tpu.dma_semaphore, #tpu.memory_space<semaphore_mem>>
        %dma_start3A_52 = arith.constant 0 : i32
        %dma_start3A_53 = tpu.memref_slice %arg11[%mul3A_50, %dma_start3A_52] : memref<10000x128xf32, #tpu.memory_space<vmem_shared>> -> memref<1000x128xf32, #tpu.memory_space<vmem_shared>>
        tpu.enqueue_dma source(%arg5 : memref<1000x128xf32, #tpu.memory_space<hbm>>) target(%dma_start3A_53 : memref<1000x128xf32, #tpu.memory_space<vmem_shared>>) target_semaphore(%run_scoped3A_51 : memref<!tpu.dma_semaphore, #tpu.memory_space<semaphore_mem>>)
        %dma_wait3A_54 = arith.constant 0 : i32
        %dma_wait3A_55 = tpu.memref_slice %arg11[%mul3A_50, %dma_wait3A_54] : memref<10000x128xf32, #tpu.memory_space<vmem_shared>> -> memref<1000x128xf32, #tpu.memory_space<vmem_shared>>
        tpu.wait_dma2 semaphore(%run_scoped3A_51 : memref<!tpu.dma_semaphore, #tpu.memory_space<semaphore_mem>>) src(%arg5 : memref<1000x128xf32, #tpu.memory_space<hbm>>) dst(%dma_wait3A_55 : memref<1000x128xf32, #tpu.memory_space<vmem_shared>>)
        tpu.yield
      }) : () -> ()
    } else {
    }
    %barrier3A = arith.constant 0 : index
    tpu.barrier barrier_id(%barrier3A)
    %dma_start3A_29 = arith.constant 0 : i32
    %dma_start3A_30 = tpu.memref_slice %arg7[%dma_start3A_29] : memref<10000xi32, #tpu.memory_space<vmem>> -> memref<80xi32, #tpu.memory_space<vmem>>
    %dma_start3A_31 = arith.constant 0 : i32
    %dma_start3A_32 = arith.constant 0 : i32
    %dma_start3A_33 = tpu.memref_slice %arg4[%dma_start3A_31, %dma_start3A_32] : memref<10000x128xf32, #tpu.memory_space<hbm>> -> memref<10000x128xf32, #tpu.memory_space<hbm>>
    tpu.enqueue_indirect_dma source(%dma_start3A_33 : memref<10000x128xf32, #tpu.memory_space<hbm>>) target(%arg9 : memref<80x128xf32, #tpu.memory_space<vmem>>) offsets(%dma_start3A_30 : memref<80xi32, #tpu.memory_space<vmem>>) semaphore(%arg13 : memref<!tpu.dma_semaphore, #tpu.memory_space<semaphore_mem>>)
    %scan3A = arith.constant 0 : i32
    %scan3A_34 = arith.constant 62 : i32
    %scan3A_35 = arith.addi %scan3A, %scan3A_34 : i32
    %scan3A_36 = arith.constant 1 : i32
    scf.for %scan3A_49 = %scan3A to %scan3A_35 step %scan3A_36  : i32 {
      %mul3A_50 = arith.constant 2 : i32
      %mul3A_51 = arith.muli %scan3A_49, %mul3A_50 : i32
      %add3A_52 = arith.constant 0 : i32
      %add3A_53 = arith.addi %add3A_52, %mul3A_51 : i32
      %mul3A_54 = arith.constant 80 : i32
      %mul3A_55 = arith.muli %add3A_53, %mul3A_54 : i32
      %dma_wait3A_56 = tpu.memref_slice %arg7[%mul3A_55] : memref<10000xi32, #tpu.memory_space<vmem>> -> memref<80xi32, #tpu.memory_space<vmem>>
      %dma_wait3A_57 = arith.constant 0 : i32
      %dma_wait3A_58 = arith.constant 0 : i32
      %dma_wait3A_59 = tpu.memref_slice %arg4[%dma_wait3A_57, %dma_wait3A_58] : memref<10000x128xf32, #tpu.memory_space<hbm>> -> memref<10000x128xf32, #tpu.memory_space<hbm>>
      tpu.wait_indirect_dma semaphore(%arg13 : memref<!tpu.dma_semaphore, #tpu.memory_space<semaphore_mem>>) src(%dma_wait3A_59 : memref<10000x128xf32, #tpu.memory_space<hbm>>) dst(%arg9 : memref<80x128xf32, #tpu.memory_space<vmem>>)
      %add3A_60 = arith.constant 1 : i32
      %add3A_61 = arith.addi %add3A_53, %add3A_60 : i32
      %mul3A_62 = arith.constant 80 : i32
      %mul3A_63 = arith.muli %add3A_61, %mul3A_62 : i32
      %dma_start3A_64 = tpu.memref_slice %arg7[%mul3A_63] : memref<10000xi32, #tpu.memory_space<vmem>> -> memref<80xi32, #tpu.memory_space<vmem>>
      %dma_start3A_65 = arith.constant 0 : i32
      %dma_start3A_66 = arith.constant 0 : i32
      %dma_start3A_67 = tpu.memref_slice %arg4[%dma_start3A_65, %dma_start3A_66] : memref<10000x128xf32, #tpu.memory_space<hbm>> -> memref<10000x128xf32, #tpu.memory_space<hbm>>
      tpu.enqueue_indirect_dma source(%dma_start3A_67 : memref<10000x128xf32, #tpu.memory_space<hbm>>) target(%arg10 : memref<80x128xf32, #tpu.memory_space<vmem>>) offsets(%dma_start3A_64 : memref<80xi32, #tpu.memory_space<vmem>>) semaphore(%arg14 : memref<!tpu.dma_semaphore, #tpu.memory_space<semaphore_mem>>)
      "tpu.region"() ({
        %run_scoped3A_86 = tpu.sem_alloc : memref<!tpu.dma_semaphore, #tpu.memory_space<semaphore_mem>>
        %dma_start3A_87 = arith.constant 0 : i32
        %dma_start3A_88 = tpu.memref_slice %arg8[%add3A_53, %dma_start3A_87] : memref<125x80xi32, #tpu.memory_space<vmem>> -> memref<1x80xi32, #tpu.memory_space<vmem>>
        %dma_start3A_89 = tpu.memref_squeeze %dma_start3A_88 : memref<1x80xi32, #tpu.memory_space<vmem>> -> memref<80xi32, #tpu.memory_space<vmem>>
        %dma_start3A_90 = arith.constant 0 : i32
        %dma_start3A_91 = arith.constant 0 : i32
        %dma_start3A_92 = tpu.memref_slice %arg11[%dma_start3A_90, %dma_start3A_91] : memref<10000x128xf32, #tpu.memory_space<vmem_shared>> -> memref<10000x128xf32, #tpu.memory_space<vmem_shared>>
        tpu.enqueue_indirect_dma source(%arg9 : memref<80x128xf32, #tpu.memory_space<vmem>>) target(%dma_start3A_92 : memref<10000x128xf32, #tpu.memory_space<vmem_shared>>) offsets(%dma_start3A_89 : memref<80xi32, #tpu.memory_space<vmem>>) semaphore(%run_scoped3A_86 : memref<!tpu.dma_semaphore, #tpu.memory_space<semaphore_mem>>) {add = true}
        %dma_wait3A_93 = arith.constant 0 : i32
        %dma_wait3A_94 = tpu.memref_slice %arg8[%add3A_53, %dma_wait3A_93] : memref<125x80xi32, #tpu.memory_space<vmem>> -> memref<1x80xi32, #tpu.memory_space<vmem>>
        %dma_wait3A_95 = tpu.memref_squeeze %dma_wait3A_94 : memref<1x80xi32, #tpu.memory_space<vmem>> -> memref<80xi32, #tpu.memory_space<vmem>>
        %dma_wait3A_96 = arith.constant 0 : i32
        %dma_wait3A_97 = arith.constant 0 : i32
        %dma_wait3A_98 = tpu.memref_slice %arg11[%dma_wait3A_96, %dma_wait3A_97] : memref<10000x128xf32, #tpu.memory_space<vmem_shared>> -> memref<10000x128xf32, #tpu.memory_space<vmem_shared>>
        tpu.wait_indirect_dma semaphore(%run_scoped3A_86 : memref<!tpu.dma_semaphore, #tpu.memory_space<semaphore_mem>>) src(%arg9 : memref<80x128xf32, #tpu.memory_space<vmem>>) dst(%dma_wait3A_98 : memref<10000x128xf32, #tpu.memory_space<vmem_shared>>)
        tpu.yield
      }) : () -> ()
      %add3A_68 = arith.constant 1 : i32
      %add3A_69 = arith.addi %add3A_53, %add3A_68 : i32
      %mul3A_70 = arith.constant 80 : i32
      %mul3A_71 = arith.muli %add3A_69, %mul3A_70 : i32
      %dma_wait3A_72 = tpu.memref_slice %arg7[%mul3A_71] : memref<10000xi32, #tpu.memory_space<vmem>> -> memref<80xi32, #tpu.memory_space<vmem>>
      %dma_wait3A_73 = arith.constant 0 : i32
      %dma_wait3A_74 = arith.constant 0 : i32
      %dma_wait3A_75 = tpu.memref_slice %arg4[%dma_wait3A_73, %dma_wait3A_74] : memref<10000x128xf32, #tpu.memory_space<hbm>> -> memref<10000x128xf32, #tpu.memory_space<hbm>>
      tpu.wait_indirect_dma semaphore(%arg14 : memref<!tpu.dma_semaphore, #tpu.memory_space<semaphore_mem>>) src(%dma_wait3A_75 : memref<10000x128xf32, #tpu.memory_space<hbm>>) dst(%arg10 : memref<80x128xf32, #tpu.memory_space<vmem>>)
      %add3A_76 = arith.constant 2 : i32
      %add3A_77 = arith.addi %add3A_53, %add3A_76 : i32
      %mul3A_78 = arith.constant 80 : i32
      %mul3A_79 = arith.muli %add3A_77, %mul3A_78 : i32
      %dma_start3A_80 = tpu.memref_slice %arg7[%mul3A_79] : memref<10000xi32, #tpu.memory_space<vmem>> -> memref<80xi32, #tpu.memory_space<vmem>>
      %dma_start3A_81 = arith.constant 0 : i32
      %dma_start3A_82 = arith.constant 0 : i32
      %dma_start3A_83 = tpu.memref_slice %arg4[%dma_start3A_81, %dma_start3A_82] : memref<10000x128xf32, #tpu.memory_space<hbm>> -> memref<10000x128xf32, #tpu.memory_space<hbm>>
      tpu.enqueue_indirect_dma source(%dma_start3A_83 : memref<10000x128xf32, #tpu.memory_space<hbm>>) target(%arg9 : memref<80x128xf32, #tpu.memory_space<vmem>>) offsets(%dma_start3A_80 : memref<80xi32, #tpu.memory_space<vmem>>) semaphore(%arg13 : memref<!tpu.dma_semaphore, #tpu.memory_space<semaphore_mem>>)
      %add3A_84 = arith.constant 1 : i32
      %add3A_85 = arith.addi %add3A_53, %add3A_84 : i32
      "tpu.region"() ({
        %run_scoped3A_86 = tpu.sem_alloc : memref<!tpu.dma_semaphore, #tpu.memory_space<semaphore_mem>>
        %dma_start3A_87 = arith.constant 0 : i32
        %dma_start3A_88 = tpu.memref_slice %arg8[%add3A_85, %dma_start3A_87] : memref<125x80xi32, #tpu.memory_space<vmem>> -> memref<1x80xi32, #tpu.memory_space<vmem>>
        %dma_start3A_89 = tpu.memref_squeeze %dma_start3A_88 : memref<1x80xi32, #tpu.memory_space<vmem>> -> memref<80xi32, #tpu.memory_space<vmem>>
        %dma_start3A_90 = arith.constant 0 : i32
        %dma_start3A_91 = arith.constant 0 : i32
        %dma_start3A_92 = tpu.memref_slice %arg11[%dma_start3A_90, %dma_start3A_91] : memref<10000x128xf32, #tpu.memory_space<vmem_shared>> -> memref<10000x128xf32, #tpu.memory_space<vmem_shared>>
        tpu.enqueue_indirect_dma source(%arg10 : memref<80x128xf32, #tpu.memory_space<vmem>>) target(%dma_start3A_92 : memref<10000x128xf32, #tpu.memory_space<vmem_shared>>) offsets(%dma_start3A_89 : memref<80xi32, #tpu.memory_space<vmem>>) semaphore(%run_scoped3A_86 : memref<!tpu.dma_semaphore, #tpu.memory_space<semaphore_mem>>) {add = true}
        %dma_wait3A_93 = arith.constant 0 : i32
        %dma_wait3A_94 = tpu.memref_slice %arg8[%add3A_85, %dma_wait3A_93] : memref<125x80xi32, #tpu.memory_space<vmem>> -> memref<1x80xi32, #tpu.memory_space<vmem>>
        %dma_wait3A_95 = tpu.memref_squeeze %dma_wait3A_94 : memref<1x80xi32, #tpu.memory_space<vmem>> -> memref<80xi32, #tpu.memory_space<vmem>>
        %dma_wait3A_96 = arith.constant 0 : i32
        %dma_wait3A_97 = arith.constant 0 : i32
        %dma_wait3A_98 = tpu.memref_slice %arg11[%dma_wait3A_96, %dma_wait3A_97] : memref<10000x128xf32, #tpu.memory_space<vmem_shared>> -> memref<10000x128xf32, #tpu.memory_space<vmem_shared>>
        tpu.wait_indirect_dma semaphore(%run_scoped3A_86 : memref<!tpu.dma_semaphore, #tpu.memory_space<semaphore_mem>>) src(%arg10 : memref<80x128xf32, #tpu.memory_space<vmem>>) dst(%dma_wait3A_98 : memref<10000x128xf32, #tpu.memory_space<vmem_shared>>)
        tpu.yield
      }) : () -> ()
    }
    %scan3A_37 = arith.constant 62 : i32
    %dma_wait3A_38 = arith.constant 9920 : i32
    %dma_wait3A_39 = tpu.memref_slice %arg7[%dma_wait3A_38] : memref<10000xi32, #tpu.memory_space<vmem>> -> memref<80xi32, #tpu.memory_space<vmem>>
    %dma_wait3A_40 = arith.constant 0 : i32
    %dma_wait3A_41 = arith.constant 0 : i32
    %dma_wait3A_42 = tpu.memref_slice %arg4[%dma_wait3A_40, %dma_wait3A_41] : memref<10000x128xf32, #tpu.memory_space<hbm>> -> memref<10000x128xf32, #tpu.memory_space<hbm>>
    tpu.wait_indirect_dma semaphore(%arg13 : memref<!tpu.dma_semaphore, #tpu.memory_space<semaphore_mem>>) src(%dma_wait3A_42 : memref<10000x128xf32, #tpu.memory_space<hbm>>) dst(%arg9 : memref<80x128xf32, #tpu.memory_space<vmem>>)
    %run_scoped3A = arith.constant 124 : i32
    "tpu.region"() ({
      %run_scoped3A_49 = tpu.sem_alloc : memref<!tpu.dma_semaphore, #tpu.memory_space<semaphore_mem>>
      %dma_start3A_50 = arith.constant 0 : i32
      %dma_start3A_51 = tpu.memref_slice %arg8[%run_scoped3A, %dma_start3A_50] : memref<125x80xi32, #tpu.memory_space<vmem>> -> memref<1x80xi32, #tpu.memory_space<vmem>>
      %dma_start3A_52 = tpu.memref_squeeze %dma_start3A_51 : memref<1x80xi32, #tpu.memory_space<vmem>> -> memref<80xi32, #tpu.memory_space<vmem>>
      %dma_start3A_53 = arith.constant 0 : i32
      %dma_start3A_54 = arith.constant 0 : i32
      %dma_start3A_55 = tpu.memref_slice %arg11[%dma_start3A_53, %dma_start3A_54] : memref<10000x128xf32, #tpu.memory_space<vmem_shared>> -> memref<10000x128xf32, #tpu.memory_space<vmem_shared>>
      tpu.enqueue_indirect_dma source(%arg9 : memref<80x128xf32, #tpu.memory_space<vmem>>) target(%dma_start3A_55 : memref<10000x128xf32, #tpu.memory_space<vmem_shared>>) offsets(%dma_start3A_52 : memref<80xi32, #tpu.memory_space<vmem>>) semaphore(%run_scoped3A_49 : memref<!tpu.dma_semaphore, #tpu.memory_space<semaphore_mem>>) {add = true}
      %dma_wait3A_56 = arith.constant 0 : i32
      %dma_wait3A_57 = tpu.memref_slice %arg8[%run_scoped3A, %dma_wait3A_56] : memref<125x80xi32, #tpu.memory_space<vmem>> -> memref<1x80xi32, #tpu.memory_space<vmem>>
      %dma_wait3A_58 = tpu.memref_squeeze %dma_wait3A_57 : memref<1x80xi32, #tpu.memory_space<vmem>> -> memref<80xi32, #tpu.memory_space<vmem>>
      %dma_wait3A_59 = arith.constant 0 : i32
      %dma_wait3A_60 = arith.constant 0 : i32
      %dma_wait3A_61 = tpu.memref_slice %arg11[%dma_wait3A_59, %dma_wait3A_60] : memref<10000x128xf32, #tpu.memory_space<vmem_shared>> -> memref<10000x128xf32, #tpu.memory_space<vmem_shared>>
      tpu.wait_indirect_dma semaphore(%run_scoped3A_49 : memref<!tpu.dma_semaphore, #tpu.memory_space<semaphore_mem>>) src(%arg9 : memref<80x128xf32, #tpu.memory_space<vmem>>) dst(%dma_wait3A_61 : memref<10000x128xf32, #tpu.memory_space<vmem_shared>>)
      tpu.yield
    }) : () -> ()
    %barrier3A_43 = arith.constant 0 : index
    tpu.barrier barrier_id(%barrier3A_43)
    %lt3A_44 = arith.constant 10 : i32
    %lt3A_45 = arith.cmpi slt, %arg1, %lt3A_44 : i32
    %convert_element_type3A_46 = arith.extui %lt3A_45 : i1 to i32
    %cond3A_47 = arith.constant 0 : i32
    %cond3A_48 = arith.cmpi ne, %convert_element_type3A_46, %cond3A_47 : i32
    scf.if %cond3A_48 {
      %mul3A_49 = arith.constant 1000 : i32
      %mul3A_50 = arith.muli %arg1, %mul3A_49 : i32
      %mul3A_51 = arith.constant 1000 : i32
      %mul3A_52 = arith.muli %arg1, %mul3A_51 : i32
      "tpu.region"() ({
        %run_scoped3A_53 = tpu.sem_alloc : memref<!tpu.dma_semaphore, #tpu.memory_space<semaphore_mem>>
        %dma_start3A_54 = arith.constant 0 : i32
        %dma_start3A_55 = tpu.memref_slice %arg6[%arg0, %mul3A_52, %dma_start3A_54] : memref<2x10000x128xf32, #tpu.memory_space<hbm>> -> memref<1x1000x128xf32, #tpu.memory_space<hbm>>
        %dma_start3A_56 = tpu.memref_squeeze %dma_start3A_55 : memref<1x1000x128xf32, #tpu.memory_space<hbm>> -> memref<1000x128xf32, #tpu.memory_space<hbm>>
        %dma_start3A_57 = arith.constant 0 : i32
        %dma_start3A_58 = tpu.memref_slice %arg11[%mul3A_50, %dma_start3A_57] : memref<10000x128xf32, #tpu.memory_space<vmem_shared>> -> memref<1000x128xf32, #tpu.memory_space<vmem_shared>>
        tpu.enqueue_dma source(%dma_start3A_58 : memref<1000x128xf32, #tpu.memory_space<vmem_shared>>) target(%dma_start3A_56 : memref<1000x128xf32, #tpu.memory_space<hbm>>) target_semaphore(%run_scoped3A_53 : memref<!tpu.dma_semaphore, #tpu.memory_space<semaphore_mem>>)
        %dma_wait3A_59 = arith.constant 0 : i32
        %dma_wait3A_60 = tpu.memref_slice %arg6[%arg0, %mul3A_52, %dma_wait3A_59] : memref<2x10000x128xf32, #tpu.memory_space<hbm>> -> memref<1x1000x128xf32, #tpu.memory_space<hbm>>
        %dma_wait3A_61 = tpu.memref_squeeze %dma_wait3A_60 : memref<1x1000x128xf32, #tpu.memory_space<hbm>> -> memref<1000x128xf32, #tpu.memory_space<hbm>>
        %dma_wait3A_62 = arith.constant 0 : i32
        %dma_wait3A_63 = tpu.memref_slice %arg11[%mul3A_50, %dma_wait3A_62] : memref<10000x128xf32, #tpu.memory_space<vmem_shared>> -> memref<1000x128xf32, #tpu.memory_space<vmem_shared>>
        tpu.wait_dma2 semaphore(%run_scoped3A_53 : memref<!tpu.dma_semaphore, #tpu.memory_space<semaphore_mem>>) src(%dma_wait3A_63 : memref<1000x128xf32, #tpu.memory_space<vmem_shared>>) dst(%dma_wait3A_61 : memref<1000x128xf32, #tpu.memory_space<hbm>>)
        tpu.yield
      }) : () -> ()
    } else {
    }
    return
  }
}

#map = affine_map<(d0, d1) -> (0, 0)>
#map1 = affine_map<(d0, d1) -> (0, 0, 0)>
module attributes {stable_mosaic.version = 14 : i64} {
  func.func @_prop(%arg0: i32, %arg1: i32, %arg2: memref<32x10000xi32, #tpu.memory_space<hbm>>, %arg3: memref<32x125x80xi32, #tpu.memory_space<hbm>>, %arg4: memref<10000x128xf32, #tpu.memory_space<hbm>>, %arg5: memref<1000x128xf32, #tpu.memory_space<hbm>>, %arg6: memref<2x10000x128xf32, #tpu.memory_space<hbm>>, %arg7: memref<10000xi32, #tpu.memory_space<vmem>>, %arg8: memref<125x80xi32, #tpu.memory_space<vmem>>, %arg9: memref<80x128xf32, #tpu.memory_space<vmem>>, %arg10: memref<80x128xf32, #tpu.memory_space<vmem>>, %arg11: memref<10000x128xf32, #tpu.memory_space<vmem_shared>>, %arg12: memref<!tpu.dma_semaphore, #tpu.memory_space<semaphore_mem>>, %arg13: memref<!tpu.dma_semaphore, #tpu.memory_space<semaphore_mem>>, %arg14: memref<!tpu.dma_semaphore, #tpu.memory_space<semaphore_mem>>) attributes {dimension_semantics = [#tpu.dimension_semantics<core_parallel>, #tpu.dimension_semantics<subcore_parallel>], iteration_bounds = array<i64: 2, 16>, scalar_prefetch = 0 : i64, scratch_operands = 8 : i64, tpu.core_type = #tpu.core_type<sc_vector_subcore>, window_params = [{transform_indices = #map}, {transform_indices = #map1}, {transform_indices = #map}, {transform_indices = #map}, {transform_indices = #map1}]} {
    %mul3A = arith.constant 16 : i32
    %mul3A_0 = arith.muli %arg0, %mul3A : i32
    %add3A = arith.addi %mul3A_0, %arg1 : i32
    %dma_start3A = arith.constant 0 : i32
    %dma_start3A_1 = tpu.memref_slice %arg2[%add3A, %dma_start3A] : memref<32x10000xi32, #tpu.memory_space<hbm>> -> memref<1x10000xi32, #tpu.memory_space<hbm>>
    %dma_start3A_2 = tpu.memref_squeeze %dma_start3A_1 : memref<1x10000xi32, #tpu.memory_space<hbm>> -> memref<10000xi32, #tpu.memory_space<hbm>>
    %dma_start3A_3 = arith.constant 0 : i32
    %dma_start3A_4 = tpu.memref_slice %arg2[%add3A, %dma_start3A_3] : memref<32x10000xi32, #tpu.memory_space<hbm>> -> memref<1x10000xi32, #tpu.memory_space<hbm>>
    %dma_start3A_5 = tpu.memref_squeeze %dma_start3A_4 : memref<1x10000xi32, #tpu.memory_space<hbm>> -> memref<10000xi32, #tpu.memory_space<hbm>>
    tpu.enqueue_dma source(%dma_start3A_5 : memref<10000xi32, #tpu.memory_space<hbm>>) target(%arg7 : memref<10000xi32, #tpu.memory_space<vmem>>) target_semaphore(%arg12 : memref<!tpu.dma_semaphore, #tpu.memory_space<semaphore_mem>>)
    %dma_wait3A = arith.constant 0 : i32
    %dma_wait3A_6 = tpu.memref_slice %arg2[%add3A, %dma_wait3A] : memref<32x10000xi32, #tpu.memory_space<hbm>> -> memref<1x10000xi32, #tpu.memory_space<hbm>>
    %dma_wait3A_7 = tpu.memref_squeeze %dma_wait3A_6 : memref<1x10000xi32, #tpu.memory_space<hbm>> -> memref<10000xi32, #tpu.memory_space<hbm>>
    %dma_wait3A_8 = arith.constant 0 : i32
    %dma_wait3A_9 = tpu.memref_slice %arg2[%add3A, %dma_wait3A_8] : memref<32x10000xi32, #tpu.memory_space<hbm>> -> memref<1x10000xi32, #tpu.memory_space<hbm>>
    %dma_wait3A_10 = tpu.memref_squeeze %dma_wait3A_9 : memref<1x10000xi32, #tpu.memory_space<hbm>> -> memref<10000xi32, #tpu.memory_space<hbm>>
    tpu.wait_dma2 semaphore(%arg12 : memref<!tpu.dma_semaphore, #tpu.memory_space<semaphore_mem>>) src(%dma_wait3A_10 : memref<10000xi32, #tpu.memory_space<hbm>>) dst(%arg7 : memref<10000xi32, #tpu.memory_space<vmem>>)
    %dma_start3A_11 = arith.constant 0 : i32
    %dma_start3A_12 = arith.constant 0 : i32
    %dma_start3A_13 = tpu.memref_slice %arg3[%add3A, %dma_start3A_11, %dma_start3A_12] : memref<32x125x80xi32, #tpu.memory_space<hbm>> -> memref<1x125x80xi32, #tpu.memory_space<hbm>>
    %dma_start3A_14 = tpu.memref_squeeze %dma_start3A_13 : memref<1x125x80xi32, #tpu.memory_space<hbm>> -> memref<125x80xi32, #tpu.memory_space<hbm>>
    %dma_start3A_15 = arith.constant 0 : i32
    %dma_start3A_16 = arith.constant 0 : i32
    %dma_start3A_17 = tpu.memref_slice %arg3[%add3A, %dma_start3A_15, %dma_start3A_16] : memref<32x125x80xi32, #tpu.memory_space<hbm>> -> memref<1x125x80xi32, #tpu.memory_space<hbm>>
    %dma_start3A_18 = tpu.memref_squeeze %dma_start3A_17 : memref<1x125x80xi32, #tpu.memory_space<hbm>> -> memref<125x80xi32, #tpu.memory_space<hbm>>
    tpu.enqueue_dma source(%dma_start3A_18 : memref<125x80xi32, #tpu.memory_space<hbm>>) target(%arg8 : memref<125x80xi32, #tpu.memory_space<vmem>>) target_semaphore(%arg12 : memref<!tpu.dma_semaphore, #tpu.memory_space<semaphore_mem>>)
    %dma_wait3A_19 = arith.constant 0 : i32
    %dma_wait3A_20 = arith.constant 0 : i32
    %dma_wait3A_21 = tpu.memref_slice %arg3[%add3A, %dma_wait3A_19, %dma_wait3A_20] : memref<32x125x80xi32, #tpu.memory_space<hbm>> -> memref<1x125x80xi32, #tpu.memory_space<hbm>>
    %dma_wait3A_22 = tpu.memref_squeeze %dma_wait3A_21 : memref<1x125x80xi32, #tpu.memory_space<hbm>> -> memref<125x80xi32, #tpu.memory_space<hbm>>
    %dma_wait3A_23 = arith.constant 0 : i32
    %dma_wait3A_24 = arith.constant 0 : i32
    %dma_wait3A_25 = tpu.memref_slice %arg3[%add3A, %dma_wait3A_23, %dma_wait3A_24] : memref<32x125x80xi32, #tpu.memory_space<hbm>> -> memref<1x125x80xi32, #tpu.memory_space<hbm>>
    %dma_wait3A_26 = tpu.memref_squeeze %dma_wait3A_25 : memref<1x125x80xi32, #tpu.memory_space<hbm>> -> memref<125x80xi32, #tpu.memory_space<hbm>>
    tpu.wait_dma2 semaphore(%arg12 : memref<!tpu.dma_semaphore, #tpu.memory_space<semaphore_mem>>) src(%dma_wait3A_26 : memref<125x80xi32, #tpu.memory_space<hbm>>) dst(%arg8 : memref<125x80xi32, #tpu.memory_space<vmem>>)
    %lt3A = arith.constant 10 : i32
    %lt3A_27 = arith.cmpi slt, %arg1, %lt3A : i32
    %convert_element_type3A = arith.extui %lt3A_27 : i1 to i32
    %cond3A = arith.constant 0 : i32
    %cond3A_28 = arith.cmpi ne, %convert_element_type3A, %cond3A : i32
    scf.if %cond3A_28 {
      %mul3A_49 = arith.constant 1000 : i32
      %mul3A_50 = arith.muli %arg1, %mul3A_49 : i32
      "tpu.region"() ({
        %run_scoped3A_51 = tpu.sem_alloc : memref<!tpu.dma_semaphore, #tpu.memory_space<semaphore_mem>>
        %dma_start3A_52 = arith.constant 0 : i32
        %dma_start3A_53 = tpu.memref_slice %arg11[%mul3A_50, %dma_start3A_52] : memref<10000x128xf32, #tpu.memory_space<vmem_shared>> -> memref<1000x128xf32, #tpu.memory_space<vmem_shared>>
        tpu.enqueue_dma source(%arg5 : memref<1000x128xf32, #tpu.memory_space<hbm>>) target(%dma_start3A_53 : memref<1000x128xf32, #tpu.memory_space<vmem_shared>>) target_semaphore(%run_scoped3A_51 : memref<!tpu.dma_semaphore, #tpu.memory_space<semaphore_mem>>)
        %dma_wait3A_54 = arith.constant 0 : i32
        %dma_wait3A_55 = tpu.memref_slice %arg11[%mul3A_50, %dma_wait3A_54] : memref<10000x128xf32, #tpu.memory_space<vmem_shared>> -> memref<1000x128xf32, #tpu.memory_space<vmem_shared>>
        tpu.wait_dma2 semaphore(%run_scoped3A_51 : memref<!tpu.dma_semaphore, #tpu.memory_space<semaphore_mem>>) src(%arg5 : memref<1000x128xf32, #tpu.memory_space<hbm>>) dst(%dma_wait3A_55 : memref<1000x128xf32, #tpu.memory_space<vmem_shared>>)
        tpu.yield
      }) : () -> ()
    } else {
    }
    %barrier3A = arith.constant 0 : index
    tpu.barrier barrier_id(%barrier3A)
    %dma_start3A_29 = arith.constant 0 : i32
    %dma_start3A_30 = tpu.memref_slice %arg7[%dma_start3A_29] : memref<10000xi32, #tpu.memory_space<vmem>> -> memref<80xi32, #tpu.memory_space<vmem>>
    %dma_start3A_31 = arith.constant 0 : i32
    %dma_start3A_32 = arith.constant 0 : i32
    %dma_start3A_33 = tpu.memref_slice %arg4[%dma_start3A_31, %dma_start3A_32] : memref<10000x128xf32, #tpu.memory_space<hbm>> -> memref<10000x128xf32, #tpu.memory_space<hbm>>
    tpu.enqueue_indirect_dma source(%dma_start3A_33 : memref<10000x128xf32, #tpu.memory_space<hbm>>) target(%arg9 : memref<80x128xf32, #tpu.memory_space<vmem>>) offsets(%dma_start3A_30 : memref<80xi32, #tpu.memory_space<vmem>>) semaphore(%arg13 : memref<!tpu.dma_semaphore, #tpu.memory_space<semaphore_mem>>)
    %scan3A = arith.constant 0 : i32
    %scan3A_34 = arith.constant 62 : i32
    %scan3A_35 = arith.addi %scan3A, %scan3A_34 : i32
    %scan3A_36 = arith.constant 1 : i32
    scf.for %scan3A_49 = %scan3A to %scan3A_35 step %scan3A_36  : i32 {
      %mul3A_50 = arith.constant 2 : i32
      %mul3A_51 = arith.muli %scan3A_49, %mul3A_50 : i32
      %add3A_52 = arith.constant 0 : i32
      %add3A_53 = arith.addi %add3A_52, %mul3A_51 : i32
      %mul3A_54 = arith.constant 80 : i32
      %mul3A_55 = arith.muli %add3A_53, %mul3A_54 : i32
      %dma_wait3A_56 = tpu.memref_slice %arg7[%mul3A_55] : memref<10000xi32, #tpu.memory_space<vmem>> -> memref<80xi32, #tpu.memory_space<vmem>>
      %dma_wait3A_57 = arith.constant 0 : i32
      %dma_wait3A_58 = arith.constant 0 : i32
      %dma_wait3A_59 = tpu.memref_slice %arg4[%dma_wait3A_57, %dma_wait3A_58] : memref<10000x128xf32, #tpu.memory_space<hbm>> -> memref<10000x128xf32, #tpu.memory_space<hbm>>
      tpu.wait_indirect_dma semaphore(%arg13 : memref<!tpu.dma_semaphore, #tpu.memory_space<semaphore_mem>>) src(%dma_wait3A_59 : memref<10000x128xf32, #tpu.memory_space<hbm>>) dst(%arg9 : memref<80x128xf32, #tpu.memory_space<vmem>>)
      %add3A_60 = arith.constant 1 : i32
      %add3A_61 = arith.addi %add3A_53, %add3A_60 : i32
      %mul3A_62 = arith.constant 80 : i32
      %mul3A_63 = arith.muli %add3A_61, %mul3A_62 : i32
      %dma_start3A_64 = tpu.memref_slice %arg7[%mul3A_63] : memref<10000xi32, #tpu.memory_space<vmem>> -> memref<80xi32, #tpu.memory_space<vmem>>
      %dma_start3A_65 = arith.constant 0 : i32
      %dma_start3A_66 = arith.constant 0 : i32
      %dma_start3A_67 = tpu.memref_slice %arg4[%dma_start3A_65, %dma_start3A_66] : memref<10000x128xf32, #tpu.memory_space<hbm>> -> memref<10000x128xf32, #tpu.memory_space<hbm>>
      tpu.enqueue_indirect_dma source(%dma_start3A_67 : memref<10000x128xf32, #tpu.memory_space<hbm>>) target(%arg10 : memref<80x128xf32, #tpu.memory_space<vmem>>) offsets(%dma_start3A_64 : memref<80xi32, #tpu.memory_space<vmem>>) semaphore(%arg14 : memref<!tpu.dma_semaphore, #tpu.memory_space<semaphore_mem>>)
      "tpu.region"() ({
        %run_scoped3A_86 = tpu.sem_alloc : memref<!tpu.dma_semaphore, #tpu.memory_space<semaphore_mem>>
        %dma_start3A_87 = arith.constant 0 : i32
        %dma_start3A_88 = tpu.memref_slice %arg8[%add3A_53, %dma_start3A_87] : memref<125x80xi32, #tpu.memory_space<vmem>> -> memref<1x80xi32, #tpu.memory_space<vmem>>
        %dma_start3A_89 = tpu.memref_squeeze %dma_start3A_88 : memref<1x80xi32, #tpu.memory_space<vmem>> -> memref<80xi32, #tpu.memory_space<vmem>>
        %dma_start3A_90 = arith.constant 0 : i32
        %dma_start3A_91 = arith.constant 0 : i32
        %dma_start3A_92 = tpu.memref_slice %arg11[%dma_start3A_90, %dma_start3A_91] : memref<10000x128xf32, #tpu.memory_space<vmem_shared>> -> memref<10000x128xf32, #tpu.memory_space<vmem_shared>>
        tpu.enqueue_indirect_dma source(%arg9 : memref<80x128xf32, #tpu.memory_space<vmem>>) target(%dma_start3A_92 : memref<10000x128xf32, #tpu.memory_space<vmem_shared>>) offsets(%dma_start3A_89 : memref<80xi32, #tpu.memory_space<vmem>>) semaphore(%run_scoped3A_86 : memref<!tpu.dma_semaphore, #tpu.memory_space<semaphore_mem>>) {add = true}
        %dma_wait3A_93 = arith.constant 0 : i32
        %dma_wait3A_94 = tpu.memref_slice %arg8[%add3A_53, %dma_wait3A_93] : memref<125x80xi32, #tpu.memory_space<vmem>> -> memref<1x80xi32, #tpu.memory_space<vmem>>
        %dma_wait3A_95 = tpu.memref_squeeze %dma_wait3A_94 : memref<1x80xi32, #tpu.memory_space<vmem>> -> memref<80xi32, #tpu.memory_space<vmem>>
        %dma_wait3A_96 = arith.constant 0 : i32
        %dma_wait3A_97 = arith.constant 0 : i32
        %dma_wait3A_98 = tpu.memref_slice %arg11[%dma_wait3A_96, %dma_wait3A_97] : memref<10000x128xf32, #tpu.memory_space<vmem_shared>> -> memref<10000x128xf32, #tpu.memory_space<vmem_shared>>
        tpu.wait_indirect_dma semaphore(%run_scoped3A_86 : memref<!tpu.dma_semaphore, #tpu.memory_space<semaphore_mem>>) src(%arg9 : memref<80x128xf32, #tpu.memory_space<vmem>>) dst(%dma_wait3A_98 : memref<10000x128xf32, #tpu.memory_space<vmem_shared>>)
        tpu.yield
      }) : () -> ()
      %add3A_68 = arith.constant 1 : i32
      %add3A_69 = arith.addi %add3A_53, %add3A_68 : i32
      %mul3A_70 = arith.constant 80 : i32
      %mul3A_71 = arith.muli %add3A_69, %mul3A_70 : i32
      %dma_wait3A_72 = tpu.memref_slice %arg7[%mul3A_71] : memref<10000xi32, #tpu.memory_space<vmem>> -> memref<80xi32, #tpu.memory_space<vmem>>
      %dma_wait3A_73 = arith.constant 0 : i32
      %dma_wait3A_74 = arith.constant 0 : i32
      %dma_wait3A_75 = tpu.memref_slice %arg4[%dma_wait3A_73, %dma_wait3A_74] : memref<10000x128xf32, #tpu.memory_space<hbm>> -> memref<10000x128xf32, #tpu.memory_space<hbm>>
      tpu.wait_indirect_dma semaphore(%arg14 : memref<!tpu.dma_semaphore, #tpu.memory_space<semaphore_mem>>) src(%dma_wait3A_75 : memref<10000x128xf32, #tpu.memory_space<hbm>>) dst(%arg10 : memref<80x128xf32, #tpu.memory_space<vmem>>)
      %add3A_76 = arith.constant 2 : i32
      %add3A_77 = arith.addi %add3A_53, %add3A_76 : i32
      %mul3A_78 = arith.constant 80 : i32
      %mul3A_79 = arith.muli %add3A_77, %mul3A_78 : i32
      %dma_start3A_80 = tpu.memref_slice %arg7[%mul3A_79] : memref<10000xi32, #tpu.memory_space<vmem>> -> memref<80xi32, #tpu.memory_space<vmem>>
      %dma_start3A_81 = arith.constant 0 : i32
      %dma_start3A_82 = arith.constant 0 : i32
      %dma_start3A_83 = tpu.memref_slice %arg4[%dma_start3A_81, %dma_start3A_82] : memref<10000x128xf32, #tpu.memory_space<hbm>> -> memref<10000x128xf32, #tpu.memory_space<hbm>>
      tpu.enqueue_indirect_dma source(%dma_start3A_83 : memref<10000x128xf32, #tpu.memory_space<hbm>>) target(%arg9 : memref<80x128xf32, #tpu.memory_space<vmem>>) offsets(%dma_start3A_80 : memref<80xi32, #tpu.memory_space<vmem>>) semaphore(%arg13 : memref<!tpu.dma_semaphore, #tpu.memory_space<semaphore_mem>>)
      %add3A_84 = arith.constant 1 : i32
      %add3A_85 = arith.addi %add3A_53, %add3A_84 : i32
      "tpu.region"() ({
        %run_scoped3A_86 = tpu.sem_alloc : memref<!tpu.dma_semaphore, #tpu.memory_space<semaphore_mem>>
        %dma_start3A_87 = arith.constant 0 : i32
        %dma_start3A_88 = tpu.memref_slice %arg8[%add3A_85, %dma_start3A_87] : memref<125x80xi32, #tpu.memory_space<vmem>> -> memref<1x80xi32, #tpu.memory_space<vmem>>
        %dma_start3A_89 = tpu.memref_squeeze %dma_start3A_88 : memref<1x80xi32, #tpu.memory_space<vmem>> -> memref<80xi32, #tpu.memory_space<vmem>>
        %dma_start3A_90 = arith.constant 0 : i32
        %dma_start3A_91 = arith.constant 0 : i32
        %dma_start3A_92 = tpu.memref_slice %arg11[%dma_start3A_90, %dma_start3A_91] : memref<10000x128xf32, #tpu.memory_space<vmem_shared>> -> memref<10000x128xf32, #tpu.memory_space<vmem_shared>>
        tpu.enqueue_indirect_dma source(%arg10 : memref<80x128xf32, #tpu.memory_space<vmem>>) target(%dma_start3A_92 : memref<10000x128xf32, #tpu.memory_space<vmem_shared>>) offsets(%dma_start3A_89 : memref<80xi32, #tpu.memory_space<vmem>>) semaphore(%run_scoped3A_86 : memref<!tpu.dma_semaphore, #tpu.memory_space<semaphore_mem>>) {add = true}
        %dma_wait3A_93 = arith.constant 0 : i32
        %dma_wait3A_94 = tpu.memref_slice %arg8[%add3A_85, %dma_wait3A_93] : memref<125x80xi32, #tpu.memory_space<vmem>> -> memref<1x80xi32, #tpu.memory_space<vmem>>
        %dma_wait3A_95 = tpu.memref_squeeze %dma_wait3A_94 : memref<1x80xi32, #tpu.memory_space<vmem>> -> memref<80xi32, #tpu.memory_space<vmem>>
        %dma_wait3A_96 = arith.constant 0 : i32
        %dma_wait3A_97 = arith.constant 0 : i32
        %dma_wait3A_98 = tpu.memref_slice %arg11[%dma_wait3A_96, %dma_wait3A_97] : memref<10000x128xf32, #tpu.memory_space<vmem_shared>> -> memref<10000x128xf32, #tpu.memory_space<vmem_shared>>
        tpu.wait_indirect_dma semaphore(%run_scoped3A_86 : memref<!tpu.dma_semaphore, #tpu.memory_space<semaphore_mem>>) src(%arg10 : memref<80x128xf32, #tpu.memory_space<vmem>>) dst(%dma_wait3A_98 : memref<10000x128xf32, #tpu.memory_space<vmem_shared>>)
        tpu.yield
      }) : () -> ()
    }
    %scan3A_37 = arith.constant 62 : i32
    %dma_wait3A_38 = arith.constant 9920 : i32
    %dma_wait3A_39 = tpu.memref_slice %arg7[%dma_wait3A_38] : memref<10000xi32, #tpu.memory_space<vmem>> -> memref<80xi32, #tpu.memory_space<vmem>>
    %dma_wait3A_40 = arith.constant 0 : i32
    %dma_wait3A_41 = arith.constant 0 : i32
    %dma_wait3A_42 = tpu.memref_slice %arg4[%dma_wait3A_40, %dma_wait3A_41] : memref<10000x128xf32, #tpu.memory_space<hbm>> -> memref<10000x128xf32, #tpu.memory_space<hbm>>
    tpu.wait_indirect_dma semaphore(%arg13 : memref<!tpu.dma_semaphore, #tpu.memory_space<semaphore_mem>>) src(%dma_wait3A_42 : memref<10000x128xf32, #tpu.memory_space<hbm>>) dst(%arg9 : memref<80x128xf32, #tpu.memory_space<vmem>>)
    %run_scoped3A = arith.constant 124 : i32
    "tpu.region"() ({
      %run_scoped3A_49 = tpu.sem_alloc : memref<!tpu.dma_semaphore, #tpu.memory_space<semaphore_mem>>
      %dma_start3A_50 = arith.constant 0 : i32
      %dma_start3A_51 = tpu.memref_slice %arg8[%run_scoped3A, %dma_start3A_50] : memref<125x80xi32, #tpu.memory_space<vmem>> -> memref<1x80xi32, #tpu.memory_space<vmem>>
      %dma_start3A_52 = tpu.memref_squeeze %dma_start3A_51 : memref<1x80xi32, #tpu.memory_space<vmem>> -> memref<80xi32, #tpu.memory_space<vmem>>
      %dma_start3A_53 = arith.constant 0 : i32
      %dma_start3A_54 = arith.constant 0 : i32
      %dma_start3A_55 = tpu.memref_slice %arg11[%dma_start3A_53, %dma_start3A_54] : memref<10000x128xf32, #tpu.memory_space<vmem_shared>> -> memref<10000x128xf32, #tpu.memory_space<vmem_shared>>
      tpu.enqueue_indirect_dma source(%arg9 : memref<80x128xf32, #tpu.memory_space<vmem>>) target(%dma_start3A_55 : memref<10000x128xf32, #tpu.memory_space<vmem_shared>>) offsets(%dma_start3A_52 : memref<80xi32, #tpu.memory_space<vmem>>) semaphore(%run_scoped3A_49 : memref<!tpu.dma_semaphore, #tpu.memory_space<semaphore_mem>>) {add = true}
      %dma_wait3A_56 = arith.constant 0 : i32
      %dma_wait3A_57 = tpu.memref_slice %arg8[%run_scoped3A, %dma_wait3A_56] : memref<125x80xi32, #tpu.memory_space<vmem>> -> memref<1x80xi32, #tpu.memory_space<vmem>>
      %dma_wait3A_58 = tpu.memref_squeeze %dma_wait3A_57 : memref<1x80xi32, #tpu.memory_space<vmem>> -> memref<80xi32, #tpu.memory_space<vmem>>
      %dma_wait3A_59 = arith.constant 0 : i32
      %dma_wait3A_60 = arith.constant 0 : i32
      %dma_wait3A_61 = tpu.memref_slice %arg11[%dma_wait3A_59, %dma_wait3A_60] : memref<10000x128xf32, #tpu.memory_space<vmem_shared>> -> memref<10000x128xf32, #tpu.memory_space<vmem_shared>>
      tpu.wait_indirect_dma semaphore(%run_scoped3A_49 : memref<!tpu.dma_semaphore, #tpu.memory_space<semaphore_mem>>) src(%arg9 : memref<80x128xf32, #tpu.memory_space<vmem>>) dst(%dma_wait3A_61 : memref<10000x128xf32, #tpu.memory_space<vmem_shared>>)
      tpu.yield
    }) : () -> ()
    %barrier3A_43 = arith.constant 0 : index
    tpu.barrier barrier_id(%barrier3A_43)
    %lt3A_44 = arith.constant 10 : i32
    %lt3A_45 = arith.cmpi slt, %arg1, %lt3A_44 : i32
    %convert_element_type3A_46 = arith.extui %lt3A_45 : i1 to i32
    %cond3A_47 = arith.constant 0 : i32
    %cond3A_48 = arith.cmpi ne, %convert_element_type3A_46, %cond3A_47 : i32
    scf.if %cond3A_48 {
      %mul3A_49 = arith.constant 1000 : i32
      %mul3A_50 = arith.muli %arg1, %mul3A_49 : i32
      %mul3A_51 = arith.constant 1000 : i32
      %mul3A_52 = arith.muli %arg1, %mul3A_51 : i32
      "tpu.region"() ({
        %run_scoped3A_53 = tpu.sem_alloc : memref<!tpu.dma_semaphore, #tpu.memory_space<semaphore_mem>>
        %dma_start3A_54 = arith.constant 0 : i32
        %dma_start3A_55 = tpu.memref_slice %arg6[%arg0, %mul3A_52, %dma_start3A_54] : memref<2x10000x128xf32, #tpu.memory_space<hbm>> -> memref<1x1000x128xf32, #tpu.memory_space<hbm>>
        %dma_start3A_56 = tpu.memref_squeeze %dma_start3A_55 : memref<1x1000x128xf32, #tpu.memory_space<hbm>> -> memref<1000x128xf32, #tpu.memory_space<hbm>>
        %dma_start3A_57 = arith.constant 0 : i32
        %dma_start3A_58 = tpu.memref_slice %arg11[%mul3A_50, %dma_start3A_57] : memref<10000x128xf32, #tpu.memory_space<vmem_shared>> -> memref<1000x128xf32, #tpu.memory_space<vmem_shared>>
        tpu.enqueue_dma source(%dma_start3A_58 : memref<1000x128xf32, #tpu.memory_space<vmem_shared>>) target(%dma_start3A_56 : memref<1000x128xf32, #tpu.memory_space<hbm>>) target_semaphore(%run_scoped3A_53 : memref<!tpu.dma_semaphore, #tpu.memory_space<semaphore_mem>>)
        %dma_wait3A_59 = arith.constant 0 : i32
        %dma_wait3A_60 = tpu.memref_slice %arg6[%arg0, %mul3A_52, %dma_wait3A_59] : memref<2x10000x128xf32, #tpu.memory_space<hbm>> -> memref<1x1000x128xf32, #tpu.memory_space<hbm>>
        %dma_wait3A_61 = tpu.memref_squeeze %dma_wait3A_60 : memref<1x1000x128xf32, #tpu.memory_space<hbm>> -> memref<1000x128xf32, #tpu.memory_space<hbm>>
        %dma_wait3A_62 = arith.constant 0 : i32
        %dma_wait3A_63 = tpu.memref_slice %arg11[%mul3A_50, %dma_wait3A_62] : memref<10000x128xf32, #tpu.memory_space<vmem_shared>> -> memref<1000x128xf32, #tpu.memory_space<vmem_shared>>
        tpu.wait_dma2 semaphore(%run_scoped3A_53 : memref<!tpu.dma_semaphore, #tpu.memory_space<semaphore_mem>>) src(%dma_wait3A_63 : memref<1000x128xf32, #tpu.memory_space<vmem_shared>>) dst(%dma_wait3A_61 : memref<1000x128xf32, #tpu.memory_space<hbm>>)
        tpu.yield
      }) : () -> ()
    } else {
    }
    return
  }
}

module attributes {stable_mosaic.version = 14 : i64} {
  func.func @_pre_body(%arg0: memref<32x10000xf32, #tpu.memory_space<vmem>>, %arg1: memref<10000x128xf32, #tpu.memory_space<vmem>>, %arg2: memref<10000x128xf32, #tpu.memory_space<vmem>>, %arg3: memref<10000x1xf32, #tpu.memory_space<vmem>>) attributes {dimension_semantics = [], scalar_prefetch = 0 : i64, scratch_operands = 0 : i64, tpu.core_type = #tpu.core_type<tc>} {
    %broadcast_in_dim3A = arith.constant 1.000000e+00 : f32
    %broadcast_in_dim3A_0 = vector.broadcast %broadcast_in_dim3A : f32 to vector<32x1xf32>
    %get3A = arith.constant 0 : index
    %get3A_1 = arith.constant 0 : index
    %get3A_2 = vector.load %arg0[%get3A, %get3A_1] : memref<32x10000xf32, #tpu.memory_space<vmem>>, vector<32x10000xf32>
    %dot_general3A = arith.constant dense<0.000000e+00> : vector<10000x1xf32>
    %dot_general3A_3 = tpu.matmul %get3A_2, %broadcast_in_dim3A_0, %dot_general3A {dimension_numbers = #tpu.dot_dimension_numbers<[0], [0], [1], [1], [0, 1, 1, 1], [], []>, precision = #tpu.contract_precision<fp32>, transpose_lhs_hint = false} : vector<32x10000xf32>, vector<32x1xf32>, vector<10000x1xf32> -> vector<10000x1xf32>
    %add3A = arith.constant 1.000000e+00 : f32
    %add3A_4 = vector.broadcast %add3A : f32 to vector<10000x1xf32>
    %add3A_5 = arith.addf %dot_general3A_3, %add3A_4 : vector<10000x1xf32>
    %rsqrt3A = math.rsqrt %add3A_5 : vector<10000x1xf32>
    %swap3A = arith.constant 0 : index
    %swap3A_6 = arith.constant 0 : index
    %swap3A_7 = vector.load %arg3[%swap3A, %swap3A_6] : memref<10000x1xf32, #tpu.memory_space<vmem>>, vector<10000x1xf32>
    tpu.vector_store %arg3[%swap3A, %swap3A_6], %rsqrt3A {strides = array<i32>} : memref<10000x1xf32, #tpu.memory_space<vmem>>, vector<10000x1xf32>,
    %get3A_8 = arith.constant 0 : index
    %get3A_9 = arith.constant 0 : index
    %get3A_10 = vector.load %arg1[%get3A_8, %get3A_9] : memref<10000x128xf32, #tpu.memory_space<vmem>>, vector<10000x128xf32>
    %mul3A = vector.broadcast %rsqrt3A : vector<10000x1xf32> to vector<10000x128xf32>
    %mul3A_11 = arith.mulf %get3A_10, %mul3A : vector<10000x128xf32>
    %swap3A_12 = arith.constant 0 : index
    %swap3A_13 = arith.constant 0 : index
    %swap3A_14 = vector.load %arg2[%swap3A_12, %swap3A_13] : memref<10000x128xf32, #tpu.memory_space<vmem>>, vector<10000x128xf32>
    tpu.vector_store %arg2[%swap3A_12, %swap3A_13], %mul3A_11 {strides = array<i32>} : memref<10000x128xf32, #tpu.memory_space<vmem>>, vector<10000x128xf32>,
    return
  }
}

module attributes {stable_mosaic.version = 14 : i64} {
  func.func @_mm_body(%arg0: i32, %arg1: memref<2x1000x128xf32, #tpu.memory_space<vmem>>, %arg2: memref<1000x128xf32, #tpu.memory_space<vmem>>, %arg3: memref<1000x1xf32, #tpu.memory_space<vmem>>, %arg4: memref<128x256xf32, #tpu.memory_space<vmem>>, %arg5: memref<1x256xf32, #tpu.memory_space<vmem>>, %arg6: memref<256x128xf32, #tpu.memory_space<vmem>>, %arg7: memref<1000x128xf32, #tpu.memory_space<vmem>>) attributes {dimension_semantics = [#tpu.dimension_semantics<arbitrary>], iteration_bounds = array<i64: 10>, scalar_prefetch = 0 : i64, scratch_operands = 0 : i64, tpu.core_type = #tpu.core_type<tc>, window_params = [{transform_indices = @transform_0, window_bounds = array<i64: 2, 1000, 128>}, {transform_indices = @transform_1, window_bounds = array<i64: 1000, 128>}, {transform_indices = @transform_2, window_bounds = array<i64: 1000, 1>}, {pipeline_mode = #tpu.pipeline_mode<synchronous>, transform_indices = @transform_3, window_bounds = array<i64: 128, 256>}, {pipeline_mode = #tpu.pipeline_mode<synchronous>, transform_indices = @transform_4, window_bounds = array<i64: 1, 256>}, {pipeline_mode = #tpu.pipeline_mode<synchronous>, transform_indices = @transform_5, window_bounds = array<i64: 256, 128>}, {transform_indices = @transform_6, window_bounds = array<i64: 1000, 128>}]} {
    %get3A = arith.constant 0 : index
    %get3A_0 = arith.constant 0 : index
    %get3A_1 = arith.constant 0 : index
    %get3A_2 = vector.load %arg1[%get3A, %get3A_0, %get3A_1] : memref<2x1000x128xf32, #tpu.memory_space<vmem>>, vector<1x1000x128xf32>
    %get3A_3 = vector.shape_cast %get3A_2 : vector<1x1000x128xf32> to vector<1000x128xf32>
    %get3A_4 = arith.constant 1 : index
    %get3A_5 = arith.constant 0 : index
    %get3A_6 = arith.constant 0 : index
    %get3A_7 = vector.load %arg1[%get3A_4, %get3A_5, %get3A_6] : memref<2x1000x128xf32, #tpu.memory_space<vmem>>, vector<1x1000x128xf32>
    %get3A_8 = vector.shape_cast %get3A_7 : vector<1x1000x128xf32> to vector<1000x128xf32>
    %add3A = arith.addf %get3A_3, %get3A_8 : vector<1000x128xf32>
    %get3A_9 = arith.constant 0 : index
    %get3A_10 = arith.constant 0 : index
    %get3A_11 = vector.load %arg2[%get3A_9, %get3A_10] : memref<1000x128xf32, #tpu.memory_space<vmem>>, vector<1000x128xf32>
    %add3A_12 = arith.addf %add3A, %get3A_11 : vector<1000x128xf32>
    %get3A_13 = arith.constant 0 : index
    %get3A_14 = arith.constant 0 : index
    %get3A_15 = vector.load %arg3[%get3A_13, %get3A_14] : memref<1000x1xf32, #tpu.memory_space<vmem>>, vector<1000x1xf32>
    %mul3A = vector.broadcast %get3A_15 : vector<1000x1xf32> to vector<1000x128xf32>
    %mul3A_16 = arith.mulf %add3A_12, %mul3A : vector<1000x128xf32>
    %get3A_17 = arith.constant 0 : index
    %get3A_18 = arith.constant 0 : index
    %get3A_19 = vector.load %arg4[%get3A_17, %get3A_18] : memref<128x256xf32, #tpu.memory_space<vmem>>, vector<128x256xf32>
    %dot_general3A = arith.constant dense<0.000000e+00> : vector<1000x256xf32>
    %dot_general3A_20 = tpu.matmul %mul3A_16, %get3A_19, %dot_general3A {dimension_numbers = #tpu.dot_dimension_numbers<[1], [0], [0], [1], [0, 0, 1, 1], [], []>, transpose_lhs_hint = false} : vector<1000x128xf32>, vector<128x256xf32>, vector<1000x256xf32> -> vector<1000x256xf32>
    %get3A_21 = arith.constant 0 : index
    %get3A_22 = arith.constant 0 : index
    %get3A_23 = vector.load %arg5[%get3A_21, %get3A_22] : memref<1x256xf32, #tpu.memory_space<vmem>>, vector<1x256xf32>
    %add3A_24 = vector.broadcast %get3A_23 : vector<1x256xf32> to vector<1000x256xf32>
    %add3A_25 = arith.addf %dot_general3A_20, %add3A_24 : vector<1000x256xf32>
    %max3A = arith.constant 0.000000e+00 : f32
    %max3A_26 = vector.broadcast %max3A : f32 to vector<1000x256xf32>
    %max3A_27 = arith.maximumf %add3A_25, %max3A_26 : vector<1000x256xf32>
    %get3A_28 = arith.constant 0 : index
    %get3A_29 = arith.constant 0 : index
    %get3A_30 = vector.load %arg6[%get3A_28, %get3A_29] : memref<256x128xf32, #tpu.memory_space<vmem>>, vector<256x128xf32>
    %dot_general3A_31 = arith.constant dense<0.000000e+00> : vector<1000x128xf32>
    %dot_general3A_32 = tpu.matmul %max3A_27, %get3A_30, %dot_general3A_31 {dimension_numbers = #tpu.dot_dimension_numbers<[1], [0], [0], [1], [0, 0, 1, 1], [], []>, transpose_lhs_hint = false} : vector<1000x256xf32>, vector<256x128xf32>, vector<1000x128xf32> -> vector<1000x128xf32>
    %get3A_33 = arith.constant 0 : index
    %get3A_34 = arith.constant 0 : index
    %get3A_35 = vector.load %arg3[%get3A_33, %get3A_34] : memref<1000x1xf32, #tpu.memory_space<vmem>>, vector<1000x1xf32>
    %mul3A_36 = vector.broadcast %get3A_35 : vector<1000x1xf32> to vector<1000x128xf32>
    %mul3A_37 = arith.mulf %dot_general3A_32, %mul3A_36 : vector<1000x128xf32>
    %swap3A = arith.constant 0 : index
    %swap3A_38 = arith.constant 0 : index
    %swap3A_39 = vector.load %arg7[%swap3A, %swap3A_38] : memref<1000x128xf32, #tpu.memory_space<vmem>>, vector<1000x128xf32>
    tpu.vector_store %arg7[%swap3A, %swap3A_38], %mul3A_37 {strides = array<i32>} : memref<1000x128xf32, #tpu.memory_space<vmem>>, vector<1000x128xf32>,
    return
  }
  func.func @transform_0(%arg0: i32) -> (i32, i32, i32) {
    %c0_i32 = arith.constant 0 : i32
    %c0_i32_0 = arith.constant 0 : i32
    %c0_i32_1 = arith.constant 0 : i32
    return %c0_i32, %arg0, %c0_i32_0 : i32, i32, i32
  }
  func.func @transform_1(%arg0: i32) -> (i32, i32) {
    %c0_i32 = arith.constant 0 : i32
    %c0_i32_0 = arith.constant 0 : i32
    return %arg0, %c0_i32 : i32, i32
  }
  func.func @transform_2(%arg0: i32) -> (i32, i32) {
    %c0_i32 = arith.constant 0 : i32
    %c0_i32_0 = arith.constant 0 : i32
    return %arg0, %c0_i32 : i32, i32
  }
  func.func @transform_3(%arg0: i32) -> (i32, i32) {
    %c0_i32 = arith.constant 0 : i32
    %c0_i32_0 = arith.constant 0 : i32
    %c0_i32_1 = arith.constant 0 : i32
    return %c0_i32, %c0_i32_0 : i32, i32
  }
  func.func @transform_4(%arg0: i32) -> (i32, i32) {
    %c0_i32 = arith.constant 0 : i32
    %c0_i32_0 = arith.constant 0 : i32
    %c0_i32_1 = arith.constant 0 : i32
    return %c0_i32, %c0_i32_0 : i32, i32
  }
  func.func @transform_5(%arg0: i32) -> (i32, i32) {
    %c0_i32 = arith.constant 0 : i32
    %c0_i32_0 = arith.constant 0 : i32
    %c0_i32_1 = arith.constant 0 : i32
    return %c0_i32, %c0_i32_0 : i32, i32
  }
  func.func @transform_6(%arg0: i32) -> (i32, i32) {
    %c0_i32 = arith.constant 0 : i32
    %c0_i32_0 = arith.constant 0 : i32
    return %arg0, %c0_i32 : i32, i32
  }
}

module attributes {stable_mosaic.version = 14 : i64} {
  func.func @_fin_body(%arg0: i32, %arg1: memref<2x1000x128xf32, #tpu.memory_space<vmem>>, %arg2: memref<1000x128xf32, #tpu.memory_space<vmem>>, %arg3: memref<1000x1xf32, #tpu.memory_space<vmem>>, %arg4: memref<1x128xf32, #tpu.memory_space<vmem>>, %arg5: memref<1000x128xf32, #tpu.memory_space<vmem>>) attributes {dimension_semantics = [#tpu.dimension_semantics<arbitrary>], iteration_bounds = array<i64: 10>, scalar_prefetch = 0 : i64, scratch_operands = 0 : i64, tpu.core_type = #tpu.core_type<tc>, window_params = [{transform_indices = @transform_0, window_bounds = array<i64: 2, 1000, 128>}, {transform_indices = @transform_1, window_bounds = array<i64: 1000, 128>}, {transform_indices = @transform_2, window_bounds = array<i64: 1000, 1>}, {pipeline_mode = #tpu.pipeline_mode<synchronous>, transform_indices = @transform_3, window_bounds = array<i64: 1, 128>}, {transform_indices = @transform_4, window_bounds = array<i64: 1000, 128>}]} {
    %get3A = arith.constant 0 : index
    %get3A_0 = arith.constant 0 : index
    %get3A_1 = arith.constant 0 : index
    %get3A_2 = vector.load %arg1[%get3A, %get3A_0, %get3A_1] : memref<2x1000x128xf32, #tpu.memory_space<vmem>>, vector<1x1000x128xf32>
    %get3A_3 = vector.shape_cast %get3A_2 : vector<1x1000x128xf32> to vector<1000x128xf32>
    %get3A_4 = arith.constant 1 : index
    %get3A_5 = arith.constant 0 : index
    %get3A_6 = arith.constant 0 : index
    %get3A_7 = vector.load %arg1[%get3A_4, %get3A_5, %get3A_6] : memref<2x1000x128xf32, #tpu.memory_space<vmem>>, vector<1x1000x128xf32>
    %get3A_8 = vector.shape_cast %get3A_7 : vector<1x1000x128xf32> to vector<1000x128xf32>
    %add3A = arith.addf %get3A_3, %get3A_8 : vector<1000x128xf32>
    %get3A_9 = arith.constant 0 : index
    %get3A_10 = arith.constant 0 : index
    %get3A_11 = vector.load %arg2[%get3A_9, %get3A_10] : memref<1000x128xf32, #tpu.memory_space<vmem>>, vector<1000x128xf32>
    %add3A_12 = arith.addf %add3A, %get3A_11 : vector<1000x128xf32>
    %get3A_13 = arith.constant 0 : index
    %get3A_14 = arith.constant 0 : index
    %get3A_15 = vector.load %arg3[%get3A_13, %get3A_14] : memref<1000x1xf32, #tpu.memory_space<vmem>>, vector<1000x1xf32>
    %mul3A = vector.broadcast %get3A_15 : vector<1000x1xf32> to vector<1000x128xf32>
    %mul3A_16 = arith.mulf %add3A_12, %mul3A : vector<1000x128xf32>
    %get3A_17 = arith.constant 0 : index
    %get3A_18 = arith.constant 0 : index
    %get3A_19 = vector.load %arg4[%get3A_17, %get3A_18] : memref<1x128xf32, #tpu.memory_space<vmem>>, vector<1x128xf32>
    %add3A_20 = vector.broadcast %get3A_19 : vector<1x128xf32> to vector<1000x128xf32>
    %add3A_21 = arith.addf %mul3A_16, %add3A_20 : vector<1000x128xf32>
    %swap3A = arith.constant 0 : index
    %swap3A_22 = arith.constant 0 : index
    %swap3A_23 = vector.load %arg5[%swap3A, %swap3A_22] : memref<1000x128xf32, #tpu.memory_space<vmem>>, vector<1000x128xf32>
    tpu.vector_store %arg5[%swap3A, %swap3A_22], %add3A_21 {strides = array<i32>} : memref<1000x128xf32, #tpu.memory_space<vmem>>, vector<1000x128xf32>,
    return
  }
  func.func @transform_0(%arg0: i32) -> (i32, i32, i32) {
    %c0_i32 = arith.constant 0 : i32
    %c0_i32_0 = arith.constant 0 : i32
    %c0_i32_1 = arith.constant 0 : i32
    return %c0_i32, %arg0, %c0_i32_0 : i32, i32, i32
  }
  func.func @transform_1(%arg0: i32) -> (i32, i32) {
    %c0_i32 = arith.constant 0 : i32
    %c0_i32_0 = arith.constant 0 : i32
    return %arg0, %c0_i32 : i32, i32
  }
  func.func @transform_2(%arg0: i32) -> (i32, i32) {
    %c0_i32 = arith.constant 0 : i32
    %c0_i32_0 = arith.constant 0 : i32
    return %arg0, %c0_i32 : i32, i32
  }
  func.func @transform_3(%arg0: i32) -> (i32, i32) {
    %c0_i32 = arith.constant 0 : i32
    %c0_i32_0 = arith.constant 0 : i32
    %c0_i32_1 = arith.constant 0 : i32
    return %c0_i32, %c0_i32_0 : i32, i32
  }
  func.func @transform_4(%arg0: i32) -> (i32, i32) {
    %c0_i32 = arith.constant 0 : i32
    %c0_i32_0 = arith.constant 0 : i32
    return %arg0, %c0_i32 : i32, i32
  }
}

</mosaic_0001>

<sc_bundles>
// kernel: kernel.11.cloned.1.call-start
scs
__scs_entry_jumppad:
0x0: {  	(pc) =	sbr.rel $0x88, $3  }
0x1: {  	(tag) =	ssettag $0x0;
	lr =	simm.s32 $0x1  }
0x2: {  	[smem:$0x3F9B] =	sst lr;
	_ =	strace $0xD0000000  }
0x3: {  	_ = 	snop  }
0x4: {  	_ = 	snop  }
0x5: {  	_ = 	snop  }
0x6: {  	_ = 	snop  }
0x7: {  	_ = 	snop  }
__scs_overlays_trampoline_lowered:
0x8: {  	[smem:$0x3FAA] =	sst s0  }
0x9: {  	[smem:$0x3FAB] =	sst s1  }
0xa: {  	[smem:$0x3FAC] =	sst s2  }
0xb: {  	[smem:$0x3FAD] =	sst s3  }
0xc: {  	[smem:$0x3FAE] =	sst s4  }
0xd: {  	[smem:$0x3FAF] =	sst s5  }
0xe: {  	[smem:$0x3FB0] =	sst s6  }
0xf: {  	[smem:$0x3FB1] =	sst s7  }
0x10: {  	[smem:$0x3FB2] =	sst s8  }
0x11: {  	[smem:$0x3FB3] =	sst s9;
	s0 =	simm.s32 @!p0 $0x0  }
0x12: {  	s1 =	sld [smem:$0x3F99];
	s0 =	simm.s32 @p0 $0x1  }
0x13: {  	[smem:$0x3FB4] =	sst s0;
	s0 =	simm.s32 @!p1 $0x0  }
0x14: {  	s2 =	sld [smem:$0x3F98];
	s0 =	simm.s32 @p1 $0x1  }
0x15: {  	[smem:$0x3FB5] =	sst s0;
	s0 =	simm.s32 @!p2 $0x0  }
0x16: {  	s3 =	sld [smem:$0x3FDB];
	s0 =	simm.s32 @p2 $0x1  }
0x17: {  	s4 =	simm.s32 $0x1BF5;
	[smem:$0x3FB7] =	sst s0  }
0x18: {  	s0 =	sld [smem:$0x3F9A];
	_ =	swait.ge [sflag:s4], $0x0  }
0x19: {  	s7 =	sld [smem:$0x3F9B]  }
0x1a: {  	s8 =	sadd.s32 $0xFFFFE003, lr  }
0x1b: {  	s9 =	sadd.s32 $0xFFFFFEF7, lr;
	s5 =	simm.s32 $0xFFFFFFFF;
	p2 =	slt.u32 s8, $0xFFFFF086  }
0x1c: {  	p1 =	slt.u32 s9, $0xF7A;
	s5 =	simm.s32 @!p2 $0x0  }
0x1d: {  	s5 =	simm.s32 @p1 $0x1;
	p0 =	seq.s32 s7, s2  }
0x1e: {  	s7 =	smul.u32 @!p0 $0xF7A, s2;
	p2 =	seq.s32 @!p0 s5, $0x0  }
0x1f: {  	s9 =	smul.u32 $0xF7A, s1;
	s8 =	simm.s32 @!p0 $0x1BF5;
	p2 =	por !p2, p0  }
0x20: {  	[sflag:s8] =	ssyncset.s32 @!p0 $0xFFFFF086;
	s6 =	sadd.s32 @!p0 s3, s7;
	s7 =	simm.s32 @!p0 $0x108  }
0x21: {  	s3 =	sadd.s32 s3, s9;
	s6 =	sadd.s32 @!p0 $0x88, s6;
	s7 =	simm.s32 @p2 $0x1082  }
0x22: {  	[simem:s7], [sflag:s8] =	dma.local @!p0 [hbm:s6], $0xF7A  }
0x23: {  	s9 =	sor.u32 $0xD0000000, s2;
	s6 =	simm.s32 $0x108;
	_ =	swait.ge @!p0 [sflag:s8], $0x0  }
0x24: {  	s3 =	sadd.s32 $0x88, s3;
	s6 =	simm.s32 @!p1 $0x1082;
	[sflag:s4] =	ssyncset.s32 $0xFFFFF086  }
0x25: {  	[simem:s6], [sflag:s4] =	dma.local [hbm:s3], $0xF7A  }
0x26: {  	[smem:$0x3F9B] =	sst s1;
	(tag) =	ssettag s2;
	_ =	strace s9  }
0x27: {  	s1 =	sld [smem:$0x3FAB]  }
0x28: {  	s2 =	sld [smem:$0x3FAC]  }
0x29: {  	s4 =	sld [smem:$0x3FAE]  }
0x2a: {  	p0 =	seq.s32 s5, $0x0;
	s5 =	sld [smem:$0x3FAF]  }
0x2b: {  	s6 =	sld [smem:$0x3FB0]  }
0x2c: {  	s7 =	sld [smem:$0x3FB1]  }
0x2d: {  	s3 =	simm.s32 $0x108;
	s8 =	sld [smem:$0x3FB2]  }
0x2e: {  	s3 =	simm.s32 @!p0 $0x1082;
	s9 =	sld [smem:$0x3FB3]  }
0x2f: {  	lr =	sadd.s32 s0, s3;
	s0 =	sld [smem:$0x3FAA]  }
0x30: {  	s3 =	sld [smem:$0x3FAD]  }
0x31: {  	[smem:$0x3FB6] =	sst s10  }
0x32: {  	s10 =	sld [smem:$0x3FB4];
	_ =	sdelay $0x3  }
0x33: {  	p0 =	seq.s32 s10, $0x1;
	s10 =	sld [smem:$0x3FB6];
	_ =	sdelay $0x3  }
0x34: {  	[smem:$0x3FB6] =	sst s10  }
0x35: {  	s10 =	sld [smem:$0x3FB5];
	_ =	sdelay $0x3  }
0x36: {  	p1 =	seq.s32 s10, $0x1;
	s10 =	sld [smem:$0x3FB6];
	_ =	sdelay $0x3  }
0x37: {  	[smem:$0x3FB6] =	sst s10  }
0x38: {  	s10 =	sld [smem:$0x3FB7]  }
0x39: {  	_ = 	snop;
	(pc) =	sbr.ind lr, $3  }
0x3a: {  	_ = 	snop  }
0x3b: {  	_ = 	snop  }
0x3c: {  	p2 =	seq.s32 s10, $0x1;
	s10 =	sld [smem:$0x3FB6]  }
0x3d: {  	_ =	shalt  }
0x3e: {  	_ =	shalt  }
0x3f: {  	_ =	shalt  }
0x40: {  	_ =	shalt  }
0x41: {  	_ =	shalt  }
0x42: {  	_ =	shalt  }
0x43: {  	_ =	shalt  }
0x44: {  	_ =	shalt  }
0x45: {  	_ =	shalt  }
0x46: {  	_ =	shalt  }
0x47: {  	_ =	shalt  }
0x48: {  	_ =	shalt  }
0x49: {  	_ =	shalt  }
0x4a: {  	_ =	shalt  }
0x4b: {  	_ =	shalt  }
0x4c: {  	_ =	shalt  }
0x4d: {  	_ =	shalt  }
0x4e: {  	_ =	shalt  }
0x4f: {  	_ =	shalt  }
0x50: {  	_ =	shalt  }
0x51: {  	_ =	shalt  }
0x52: {  	_ =	shalt  }
0x53: {  	_ =	shalt  }
0x54: {  	_ =	shalt  }
0x55: {  	_ =	shalt  }
0x56: {  	_ =	shalt  }
0x57: {  	_ =	shalt  }
0x58: {  	_ =	shalt  }
0x59: {  	_ =	shalt  }
0x5a: {  	_ =	shalt  }
0x5b: {  	_ =	shalt  }
0x5c: {  	_ =	shalt  }
0x5d: {  	_ =	shalt  }
0x5e: {  	_ =	shalt  }
0x5f: {  	_ =	shalt  }
0x60: {  	_ =	shalt  }
0x61: {  	_ =	shalt  }
0x62: {  	_ =	shalt  }
0x63: {  	_ =	shalt  }
0x64: {  	_ =	shalt  }
0x65: {  	_ =	shalt  }
0x66: {  	_ =	shalt  }
0x67: {  	_ =	shalt  }
0x68: {  	_ =	shalt  }
0x69: {  	_ =	shalt  }
0x6a: {  	_ =	shalt  }
0x6b: {  	_ =	shalt  }
0x6c: {  	_ =	shalt  }
0x6d: {  	_ =	shalt  }
0x6e: {  	_ =	shalt  }
0x6f: {  	_ =	shalt  }
0x70: {  	_ =	shalt  }
0x71: {  	_ =	shalt  }
0x72: {  	_ =	shalt  }
0x73: {  	_ =	shalt  }
0x74: {  	_ =	shalt  }
0x75: {  	_ =	shalt  }
0x76: {  	_ =	shalt  }
0x77: {  	_ =	shalt  }
0x78: {  	_ =	shalt  }
0x79: {  	_ =	shalt  }
0x7a: {  	_ =	shalt  }
0x7b: {  	_ =	shalt  }
0x7c: {  	_ =	shalt  }
0x7d: {  	_ =	shalt  }
0x7e: {  	_ =	shalt  }
0x7f: {  	_ =	shalt  }
0x80: {  	_ =	shalt  }
0x81: {  	_ =	shalt  }
0x82: {  	_ =	shalt  }
0x83: {  	_ =	shalt  }
0x84: {  	_ =	shalt  }
0x85: {  	_ =	shalt  }
0x86: {  	_ =	shalt  }
0x87: {  	_ =	shalt  }
.Lfunc_end0:
.L_simem_size_0:
called_computation.1_lowered:
.L_overlay_start_0:
0x88: {  	s2 =	sld [smem:$0x3FD9]  }
0x89: {  	s3 =	sld [smem:$0x3FFE];
	_ =	sdelay $0x1  }
0x8a: {  	s1 =	srdreg.scid  }
0x8b: {  	s0 =	sand.u32 $0x1, s1  }
0x8c: {  	s17 =	sshll.u32 s0, $0xA;
	s2 =	sadd.s32 s3, s2  }
0x8d: {  	s2 =	sadd.s32 s2, s17  }
0x8e: {  	[smem:$0x3FC2] =	sst s2  }
0x8f: {  	_ = 	snop  }
0x90: {  	s2 =	sld [smem:$0x3FD0];
	(tm) =	ssettm $0x1  }
0x91: {  	s18 =	sld [smem:$0x3FFB];
	_ =	sdelay $0x3  }
0x92: {  	_ =	strace s18  }
0x93: {  	s3 =	sld [smem:$0x3FFC];
	_ =	sdelay $0x3  }
0x94: {  	_ =	strace s3  }
0x95: {  	s3 =	sld [smem:$0x3FFD];
	_ =	sdelay $0x3  }
0x96: {  	_ =	strace s3  }
0x97: {  	_ =	strace $0x8FFFFFFF  }
0x98: {  	s19 =	sld [smem:$0x3FDB];
	_ =	sdelay $0x1  }
0x99: {  	s4 =	simm.s32 $_scs_section_size  }
0x9a: {  	s5 =	simm.s32 $_size__tile_overlayer_lowered;
	s6 =	simm.s32 $_tile_overlayer_lowered  }
0x9b: {  	s22 =	simm.s32 $0x1BFF;
	s21 =	sshll.u32 s6, $0x1;
	s3 =	sadd.s32 s4, s19  }
0x9c: {  	s7 =	simm.s32 $0x0;
	s20 =	sshll.u32 s5, $0x1;
	s5 =	sadd.s32 s21, s3  }
0x9d: {  	[timem:s7], [sflag:s22] =	dma.local [hbm:s5], s20  }
0x9e: {  	_ =	swait.ge [sflag:s22], s20  }
0x9f: {  	s4 =	ssub.s32 $0x0, s20;
	[sflag:s22] =	ssyncset.done $0x0  }
0xa0: {  	[sflag:s22] =	ssyncadd.s32 s4;
	_ =	sdelay $0x1  }
0xa1: {  	s23 =	simm.s32 $0x1B8B  }
0xa2: {  	_ =	swait.ge [sflag:s23], $0x1  }
0xa3: {  	[sflag:s23] =	ssyncset.done $0x0  }
0xa4: {  	s25 =	simm.s32 $0x1B8E;
	s24 =	sld [smem:$0x3FFE];
	[sflag:s23] =	ssyncadd.s32 $0xFFFFFFFF  }
0xa5: {  	s26 =	simm.s32 $execute0_lowered;
	[smem:$0x3FD2] =	sst s25  }
0xa6: {  	s5 =	sshll.u32 s26, $0x1;
	_ =	strace $0x80000049;
	[dreg:$0x1] =	wrdreg $0xFFFFFFFF  }
0xa7: {  	s28 =	simm.s32 $_size_execute0_lowered;
	s3 =	sadd.s32 s3, s5;
	[dreg:$0x0] =	wrdreg $0x0  }
0xa8: {  	s5 =	sshll.u32 s28, $0x1;
	[dreg:$0x2] =	wrdreg s3  }
0xa9: {  	[dreg:$0x3] =	wrdreg s5  }
0xaa: {  	[dreg:$0x4] =	wrdreg $0xC0  }
0xab: {  	_ =	task [dreg:s7], $0x5FFFF  }
0xac: {  	[dreg:$0x1] =	wrdreg $0xFFFFFFFF  }
0xad: {  	[dreg:$0x0] =	wrdreg $0x60  }
0xae: {  	[dreg:$0x2] =	wrdreg s24  }
0xaf: {  	[dreg:$0x3] =	wrdreg s2  }
0xb0: {  	[dreg:$0x4] =	wrdreg $0xB7800  }
0xb1: {  	[dreg:$0x5] =	wrdreg $0x9  }
0xb2: {  	_ =	task.clear_ibuf [dreg:s7], $0x6FFFF;
	_ =	strace $0x90000049  }
0xb3: {  	s29 =	simm.s32 $0x9;
	_ =	strace $0x8000004B  }
0xb4: {  	_ =	swait.ge [sflag:s29], $0x1  }
0xb5: {  	[sflag:s29] =	ssyncadd.s32 $0xFFFFFFFF  }
0xb6: {  	_ =	strace $0x9000004B  }
0xb7: {  	_ =	sfence  }
0xb8: {  	s30 =	sld [smem:$0x0];
	_ =	sdelay $0x2  }
0xb9: {  	s31 =	sshll.u32 s1, $0xD;
	s1 =	sshrl.u32 s1, $0x2  }
0xba: {  	s3 =	sand.u32 $0x4000, s31;
	s1 =	sadd.s32 s1, s30  }
0xbb: {  	s0 =	sor.u32 s3, s0;
	s1 =	sshll.u32 s1, $0x11  }
0xbc: {  	s0 =	sor.u32 s1, s0  }
0xbd: {  	s0 =	sadd.s32 $0x8F2B, s0  }
0xbe: {  	[sflag:s0] =	ssyncadd.remote.s32 $0x1  }
0xbf: {  	_ =	sfence.sel $0xFFFF  }
0xc0: {  	[dreg:$0x0] =	wrdreg $0xFFFFFFFF;
	(pc) =	sbr.abs _section_cstart, $3  }
0xc1: {  	[dreg:$0x1] =	wrdreg $0xFFFFFFFF  }
0xc2: {  	_ =	task.clear_ibuf [dreg:s7], $0x2FFFF;
	_ =	strace $0x9FFFFFFF  }
0xc3: {  	(tm) =	ssettm $0x7FFFFFFF  }
tec
execute0_lowered:
.L_overlay_start_1:
0x0: {  	(tag) =	ssettag $0x1  }
0x1: {  	s6 =	rddreg [dreg:$0x0]  }
0x2: {  	s2 =	rddreg [dreg:$0x1]  }
0x3: {  	s0 =	srdreg.scid;
	s3 =	rddreg [dreg:$0x2];
	s4 =	simm.s32 $0x0  }
0x4: {  	s13 =	simm.s32 $0x2780;
	s16 =	simm.s32 $0x50;
	s17 =	simm.s32 $0x6780  }
0x5: {  	s18 =	simm.s32 $0x2;
	s19 =	simm.s32 $0x8F80;
	s20 =	simm.s32 $0x4  }
0x6: {  	s21 =	simm.s32 $0x3;
	s22 =	simm.s32 $0x6580;
	s5 =	sand.u32 $0x1, s0  }
0x7: {  	s23 =	simm.s32 $0x0;
	s0 =	stileid.u32;
	s30 =	smul.u32 $0x138800, s5  }
0x8: {  	[smem:$0x7FF] =	sst s4;
	s1 =	sshll.u32 s5, $0x4;
	s10 =	smul.u32 $0x1F400, s0  }
0x9: {  	s9 =	sshll.u32 s0, $0x7;
	s31 =	ssub.s32 $0x2, s5;
	s11 =	smul.u32 $0x7D000, s0  }
0xa: {  	s5 =	sadd.s32 $0x2A00, s6;
	p0 =	sgt.u32 s0, $0x9;
	s7 =	sor.u32 s0, s1  }
0xb: {  	s9 =	sand.u32 $0x380, s9;
	s12 =	sshrl.u32 s31, $0x1;
	s14 =	sshll.u32 @!p0 s0, $0x6  }
0xc: {  	s1 =	sshrl.u32 s7, $0x3;
	s7 =	sshll.u32 s7, $0xB;
	s11 =	sshrl.u32 s11, $0x2  }
0xd: {  	s14 =	sor.u32 @!p0 $0x1C04, s14;
	s8 =	smul.u32 $0x13C00, s1;
	s1 =	rddreg [dreg:$0x3]  }
0xe: {  	_ =	strace $0x8000004A;
	s7 =	sadd.s32 s7, s6;
	s15 =	sadd.s32 s11, s3  }
0xf: {  	s11 =	simm.s32 $0x400;
	s7 =	sadd.s32 $0xC800, s7;
	s8 =	sor.u32 s9, s8  }
0x10: {  	s15 =	sshrl.u32 @!p0 s15, $0x3;
	s9 =	sadd.s32 s10, s30;
	s8 =	sshrl.u32 s8, $0x3  }
0x11: {  	s10 =	ssub.s32 s31, s12;
	s9 =	sshrl.u32 s9, $0x3;
	s8 =	sadd.s32 s8, s6  }
0x12: {  	s12 =	simm.s32 $0x1;
	s9 =	sadd.s32 s9, s6;
	s6 =	sadd.s32 $0x1C800, s8  }
0x13: {  	s8 =	sadd.s32 $0x26600, s9;
	s9 =	smax.u32 s10, $0x1;
	s10 =	simm.s32 $0x80  }
.LBB2_1:
0x14: {  	[tilespmem:s4], [sflag:$0x1] =	stream.strided.gather [hbm4b:s6+s10], $0x2780, s11, s10, $0x38;
	[tilespmem:$0x1F000] =	vst v63  }
0x15: {  	_ =	swait.ge [sflag:s12], $0x2780  }
0x16: {  	[sflag:s12] =	ssyncset.done $0x0  }
0x17: {  	[sflag:s12] =	ssyncadd.s32 $0xFFFFD880  }
0x18: {  	[tilespmem:s13], [sflag:$0x1] =	stream.linear.gather [hbm4b:s7+s4], $0x3E80, $0x38;
	[tilespmem:$0x1F000] =	vst v63  }
0x19: {  	_ =	swait.ge [sflag:s12], $0x3E80  }
0x1a: {  	[sflag:s12] =	ssyncset.done $0x0  }
0x1b: {  	s24 =	simm.s32 @!p0 $0x4;
	[sflag:s12] =	ssyncadd.s32 $0xFFFFC180  }
0x1c: {  	[spmem:s15], [sflag:s14] =	dma.local @!p0 [hbm:s5], $0x3E80  }
0x1d: {  	_ =	swait.ge @!p0 [sflag:s24], $0x3E80  }
0x1e: {  	[sflag:s24] =	ssyncset.done @!p0 $0x0  }
0x1f: {  	[sflag:s24] =	ssyncadd.s32 @!p0 $0xFFFFC180  }
0x20: {  	[bflag:$0x0] =	sbarrier.arrive $0xFFFF  }
0x21: {  	[tilespmem:s17], [sflag:$0x2] =	stream.indirect.gather [hbm4b:s2+s16], $0x80, s4, s16, $0xb8;
	[tilespmem:$0x1F000] =	vst v63  }
0x22: {  	_ =	swait.ge [sflag:s18], $0x2800  }
0x23: {  	[sflag:s18] =	ssyncset.done $0x0  }
0x24: {  	s30 =	simm.s32 $0x50;
	[sflag:s18] =	ssyncadd.s32 $0xFFFFD800  }
0x25: {  	[tilespmem:s19], [sflag:$0x3] =	stream.indirect.gather [hbm4b:s2+s16], $0x80, s30, s16, $0xb8;
	[tilespmem:$0x1F000] =	vst v63  }
0x26: {  	s31 =	simm.s32 $0x2780  }
0x27: {  	[spmem:s3] =	stream.indirect.scatter.add.f32 [tilespmem:s17], [sflag:$0x4], $0x80, s31, s16, $0xb8;
	[tilespmem:$0x1F000] =	vst v63  }
0x28: {  	_ =	swait.ge [sflag:s20], $0x2800  }
0x29: {  	[sflag:s20] =	ssyncset.done $0x0  }
0x2a: {  	[sflag:s20] =	ssyncadd.s32 $0xFFFFD800  }
0x2b: {  	_ =	swait.ge [sflag:s21], $0x2800  }
0x2c: {  	[sflag:s21] =	ssyncset.done $0x0  }
0x2d: {  	s24 =	simm.s32 $0xA0;
	[sflag:s21] =	ssyncadd.s32 $0xFFFFD800  }
0x2e: {  	[tilespmem:s17], [sflag:$0x2] =	stream.indirect.gather [hbm4b:s2+s16], $0x80, s24, s16, $0xb8;
	[tilespmem:$0x1F000] =	vst v63  }
0x2f: {  	s25 =	simm.s32 $0x2800  }
0x30: {  	[spmem:s3] =	stream.indirect.scatter.add.f32 [tilespmem:s19], [sflag:$0x4], $0x80, s25, s16, $0xb8;
	[tilespmem:$0x1F000] =	vst v63  }
0x31: {  	_ =	swait.ge [sflag:s20], $0x2800  }
0x32: {  	s25 =	simm.s32 $0x400;
	[sflag:s20] =	ssyncset.done $0x0  }
.LBB2_2:
0x33: {  	p1 =	sne.s32 s25, $0xF400;
	[sflag:s20] =	ssyncadd.s32 $0xFFFFD800;
	s24 =	sadd.s32 $0xA0, s24  }
0x34: {  	s26 =	smov.u32 s25;
	s25 =	sadd.s32 $0x400, s25  }
0x35: {  	_ =	swait.ge [sflag:s18], $0x2800  }
0x36: {  	[sflag:s18] =	ssyncset.done $0x0  }
0x37: {  	s28 =	sadd.s32 $0xFFFFFFB0, s24;
	s26 =	sshra.s32 s26, $0x2;
	[sflag:s18] =	ssyncadd.s32 $0xFFFFD800  }
0x38: {  	[tilespmem:s19], [sflag:$0x3] =	stream.indirect.gather [hbm4b:s2+s16], $0x80, s28, s16, $0xb8;
	[tilespmem:$0x1F000] =	vst v63  }
0x39: {  	s28 =	sadd.s32 $0x2780, s26  }
0x3a: {  	[spmem:s3] =	stream.indirect.scatter.add.f32 [tilespmem:s17], [sflag:$0x4], $0x80, s28, s16, $0xb8;
	[tilespmem:$0x1F000] =	vst v63  }
0x3b: {  	_ =	swait.ge [sflag:s20], $0x2800  }
0x3c: {  	[sflag:s20] =	ssyncset.done $0x0  }
0x3d: {  	[sflag:s20] =	ssyncadd.s32 $0xFFFFD800  }
0x3e: {  	_ =	swait.ge [sflag:s21], $0x2800  }
0x3f: {  	[sflag:s21] =	ssyncset.done $0x0  }
0x40: {  	[sflag:s21] =	ssyncadd.s32 $0xFFFFD800  }
0x41: {  	[tilespmem:s17], [sflag:$0x2] =	stream.indirect.gather [hbm4b:s2+s16], $0x80, s24, s16, $0xb8;
	[tilespmem:$0x1F000] =	vst v63  }
.Ltmp0:
0x42: {  	_ = 	snop;
	(pc) =	sbr.rel @p1 .LBB2_2-.Ltmp0, $4  }
0x43: {  	s26 =	sadd.s32 $0x2800, s26  }
0x44: {  	[spmem:s3] =	stream.indirect.scatter.add.f32 [tilespmem:s19], [sflag:$0x4], $0x80, s26, s16, $0xb8;
	[tilespmem:$0x1F000] =	vst v63  }
0x45: {  	_ =	swait.ge [sflag:s20], $0x2800  }
0x46: {  	[sflag:s20] =	ssyncset.done $0x0  }
0x47: {  	[sflag:s20] =	ssyncadd.s32 $0xFFFFD800  }
0x48: {  	_ =	swait.ge [sflag:s18], $0x2800  }
0x49: {  	[sflag:s18] =	ssyncset.done $0x0  }
0x4a: {  	[sflag:s18] =	ssyncadd.s32 $0xFFFFD800  }
0x4b: {  	[spmem:s3] =	stream.indirect.scatter.add.f32 [tilespmem:s17], [sflag:$0x4], $0x80, s22, s16, $0xb8;
	[tilespmem:$0x1F000] =	vst v63  }
0x4c: {  	_ =	swait.ge [sflag:s20], $0x2800  }
0x4d: {  	s23 =	sadd.s32 $0x1, s23;
	[sflag:s20] =	ssyncset.done $0x0  }
0x4e: {  	p1 =	sne.s32 s23, s9;
	[sflag:s20] =	ssyncadd.s32 $0xFFFFD800  }
.Ltmp1:
0x4f: {  	s24 =	simm.s32 @!p0 $0x4;
	[bflag:$0x0] =	sbarrier.arrive $0xFFFF;
	(pc) =	sbr.rel @p1 .LBB2_1-.Ltmp1, $4  }
0x50: {  	[hbm:s8], [sflag:s14] =	dma.local @!p0 [spmem:s15], $0x3E80  }
0x51: {  	_ =	swait.ge @!p0 [sflag:s24], $0x3E80  }
0x52: {  	[sflag:s24] =	ssyncset.done @!p0 $0x0  }
0x53: {  	[sflag:s24] =	ssyncadd.s32 @!p0 $0xFFFFC180  }
0x54: {  	_ =	sfence.sel $0x180000  }
0x55: {  	[bflag:$0x0] =	sbarrier.arrive $0xFFFF  }
0x56: {  	p0 =	sne.s32 s0, $0x0;
	_ =	strace $0x9000004A  }
0x57: {  	s0 =	sadd.s32 @!p0 $0x100000, s1;
	[bflag:$0x2] =	sbarrier.arrive $0xFFFF  }
0x58: {  	[sflag:s0] =	ssyncadd.tile.s32 @!p0 $0x1;
	_ =	shalt  }
.Lfunc_end2:
_tile_overlayer_lowered:
.L_overlay_start_2:
0x59: {  	(tag) =	ssettag $0x2  }
0x5a: {  	s0 =	rddreg [dreg:$0x0];
	s2 =	stileid.u32  }
0x5b: {  	s1 =	rddreg [dreg:$0x1];
	p0 =	sne.s32 s2, $0x0  }
0x5c: {  	s3 =	rddreg [dreg:$0x2];
	[bflag:$0x3] =	sbarrier.arrive $0xFFFF;
	s2 =	simm.s32 @!p0 $0x1C04  }
0x5d: {  	[timem:s3], [sflag:s2] =	dma.local @!p0 [hbm:s0], s1  }
0x5e: {  	s0 =	simm.s32 @!p0 $0x4  }
0x5f: {  	_ =	swait.ge @!p0 [sflag:s0], s1  }
0x60: {  	s1 =	ssub.s32 @!p0 $0x0, s1;
	[sflag:s0] =	ssyncset.done @!p0 $0x0  }
0x61: {  	[sflag:s0] =	ssyncadd.s32 @!p0 s1  }
0x62: {  	[bflag:$0x3] =	sbarrier.arrive $0xFFFF  }
0x63: {  	_ =	shalt  }

// kernel: kernel.14.cloned.1.call-start
scs
__scs_entry_jumppad:
0x0: {  	(pc) =	sbr.rel $0x88, $3  }
0x1: {  	(tag) =	ssettag $0x0;
	lr =	simm.s32 $0x1  }
0x2: {  	[smem:$0x3F9B] =	sst lr;
	_ =	strace $0xD0000000  }
0x3: {  	_ = 	snop  }
0x4: {  	_ = 	snop  }
0x5: {  	_ = 	snop  }
0x6: {  	_ = 	snop  }
0x7: {  	_ = 	snop  }
__scs_overlays_trampoline_lowered:
0x8: {  	[smem:$0x3FAA] =	sst s0  }
0x9: {  	[smem:$0x3FAB] =	sst s1  }
0xa: {  	[smem:$0x3FAC] =	sst s2  }
0xb: {  	[smem:$0x3FAD] =	sst s3  }
0xc: {  	[smem:$0x3FAE] =	sst s4  }
0xd: {  	[smem:$0x3FAF] =	sst s5  }
0xe: {  	[smem:$0x3FB0] =	sst s6  }
0xf: {  	[smem:$0x3FB1] =	sst s7  }
0x10: {  	[smem:$0x3FB2] =	sst s8  }
0x11: {  	[smem:$0x3FB3] =	sst s9;
	s0 =	simm.s32 @!p0 $0x0  }
0x12: {  	s1 =	sld [smem:$0x3F99];
	s0 =	simm.s32 @p0 $0x1  }
0x13: {  	[smem:$0x3FB4] =	sst s0;
	s0 =	simm.s32 @!p1 $0x0  }
0x14: {  	s2 =	sld [smem:$0x3F98];
	s0 =	simm.s32 @p1 $0x1  }
0x15: {  	[smem:$0x3FB5] =	sst s0;
	s0 =	simm.s32 @!p2 $0x0  }
0x16: {  	s3 =	sld [smem:$0x3FDB];
	s0 =	simm.s32 @p2 $0x1  }
0x17: {  	s4 =	simm.s32 $0x1BF5;
	[smem:$0x3FB7] =	sst s0  }
0x18: {  	s0 =	sld [smem:$0x3F9A];
	_ =	swait.ge [sflag:s4], $0x0  }
0x19: {  	s7 =	sld [smem:$0x3F9B]  }
0x1a: {  	s8 =	sadd.s32 $0xFFFFE003, lr  }
0x1b: {  	s9 =	sadd.s32 $0xFFFFFEF7, lr;
	s5 =	simm.s32 $0xFFFFFFFF;
	p2 =	slt.u32 s8, $0xFFFFF086  }
0x1c: {  	p1 =	slt.u32 s9, $0xF7A;
	s5 =	simm.s32 @!p2 $0x0  }
0x1d: {  	s5 =	simm.s32 @p1 $0x1;
	p0 =	seq.s32 s7, s2  }
0x1e: {  	s7 =	smul.u32 @!p0 $0xF7A, s2;
	p2 =	seq.s32 @!p0 s5, $0x0  }
0x1f: {  	s9 =	smul.u32 $0xF7A, s1;
	s8 =	simm.s32 @!p0 $0x1BF5;
	p2 =	por !p2, p0  }
0x20: {  	[sflag:s8] =	ssyncset.s32 @!p0 $0xFFFFF086;
	s6 =	sadd.s32 @!p0 s3, s7;
	s7 =	simm.s32 @!p0 $0x108  }
0x21: {  	s3 =	sadd.s32 s3, s9;
	s6 =	sadd.s32 @!p0 $0x88, s6;
	s7 =	simm.s32 @p2 $0x1082  }
0x22: {  	[simem:s7], [sflag:s8] =	dma.local @!p0 [hbm:s6], $0xF7A  }
0x23: {  	s9 =	sor.u32 $0xD0000000, s2;
	s6 =	simm.s32 $0x108;
	_ =	swait.ge @!p0 [sflag:s8], $0x0  }
0x24: {  	s3 =	sadd.s32 $0x88, s3;
	s6 =	simm.s32 @!p1 $0x1082;
	[sflag:s4] =	ssyncset.s32 $0xFFFFF086  }
0x25: {  	[simem:s6], [sflag:s4] =	dma.local [hbm:s3], $0xF7A  }
0x26: {  	[smem:$0x3F9B] =	sst s1;
	(tag) =	ssettag s2;
	_ =	strace s9  }
0x27: {  	s1 =	sld [smem:$0x3FAB]  }
0x28: {  	s2 =	sld [smem:$0x3FAC]  }
0x29: {  	s4 =	sld [smem:$0x3FAE]  }
0x2a: {  	p0 =	seq.s32 s5, $0x0;
	s5 =	sld [smem:$0x3FAF]  }
0x2b: {  	s6 =	sld [smem:$0x3FB0]  }
0x2c: {  	s7 =	sld [smem:$0x3FB1]  }
0x2d: {  	s3 =	simm.s32 $0x108;
	s8 =	sld [smem:$0x3FB2]  }
0x2e: {  	s3 =	simm.s32 @!p0 $0x1082;
	s9 =	sld [smem:$0x3FB3]  }
0x2f: {  	lr =	sadd.s32 s0, s3;
	s0 =	sld [smem:$0x3FAA]  }
0x30: {  	s3 =	sld [smem:$0x3FAD]  }
0x31: {  	[smem:$0x3FB6] =	sst s10  }
0x32: {  	s10 =	sld [smem:$0x3FB4];
	_ =	sdelay $0x3  }
0x33: {  	p0 =	seq.s32 s10, $0x1;
	s10 =	sld [smem:$0x3FB6];
	_ =	sdelay $0x3  }
0x34: {  	[smem:$0x3FB6] =	sst s10  }
0x35: {  	s10 =	sld [smem:$0x3FB5];
	_ =	sdelay $0x3  }
0x36: {  	p1 =	seq.s32 s10, $0x1;
	s10 =	sld [smem:$0x3FB6];
	_ =	sdelay $0x3  }
0x37: {  	[smem:$0x3FB6] =	sst s10  }
0x38: {  	s10 =	sld [smem:$0x3FB7]  }
0x39: {  	_ = 	snop;
	(pc) =	sbr.ind lr, $3  }
0x3a: {  	_ = 	snop  }
0x3b: {  	_ = 	snop  }
0x3c: {  	p2 =	seq.s32 s10, $0x1;
	s10 =	sld [smem:$0x3FB6]  }
0x3d: {  	_ =	shalt  }
0x3e: {  	_ =	shalt  }
0x3f: {  	_ =	shalt  }
0x40: {  	_ =	shalt  }
0x41: {  	_ =	shalt  }
0x42: {  	_ =	shalt  }
0x43: {  	_ =	shalt  }
0x44: {  	_ =	shalt  }
0x45: {  	_ =	shalt  }
0x46: {  	_ =	shalt  }
0x47: {  	_ =	shalt  }
0x48: {  	_ =	shalt  }
0x49: {  	_ =	shalt  }
0x4a: {  	_ =	shalt  }
0x4b: {  	_ =	shalt  }
0x4c: {  	_ =	shalt  }
0x4d: {  	_ =	shalt  }
0x4e: {  	_ =	shalt  }
0x4f: {  	_ =	shalt  }
0x50: {  	_ =	shalt  }
0x51: {  	_ =	shalt  }
0x52: {  	_ =	shalt  }
0x53: {  	_ =	shalt  }
0x54: {  	_ =	shalt  }
0x55: {  	_ =	shalt  }
0x56: {  	_ =	shalt  }
0x57: {  	_ =	shalt  }
0x58: {  	_ =	shalt  }
0x59: {  	_ =	shalt  }
0x5a: {  	_ =	shalt  }
0x5b: {  	_ =	shalt  }
0x5c: {  	_ =	shalt  }
0x5d: {  	_ =	shalt  }
0x5e: {  	_ =	shalt  }
0x5f: {  	_ =	shalt  }
0x60: {  	_ =	shalt  }
0x61: {  	_ =	shalt  }
0x62: {  	_ =	shalt  }
0x63: {  	_ =	shalt  }
0x64: {  	_ =	shalt  }
0x65: {  	_ =	shalt  }
0x66: {  	_ =	shalt  }
0x67: {  	_ =	shalt  }
0x68: {  	_ =	shalt  }
0x69: {  	_ =	shalt  }
0x6a: {  	_ =	shalt  }
0x6b: {  	_ =	shalt  }
0x6c: {  	_ =	shalt  }
0x6d: {  	_ =	shalt  }
0x6e: {  	_ =	shalt  }
0x6f: {  	_ =	shalt  }
0x70: {  	_ =	shalt  }
0x71: {  	_ =	shalt  }
0x72: {  	_ =	shalt  }
0x73: {  	_ =	shalt  }
0x74: {  	_ =	shalt  }
0x75: {  	_ =	shalt  }
0x76: {  	_ =	shalt  }
0x77: {  	_ =	shalt  }
0x78: {  	_ =	shalt  }
0x79: {  	_ =	shalt  }
0x7a: {  	_ =	shalt  }
0x7b: {  	_ =	shalt  }
0x7c: {  	_ =	shalt  }
0x7d: {  	_ =	shalt  }
0x7e: {  	_ =	shalt  }
0x7f: {  	_ =	shalt  }
0x80: {  	_ =	shalt  }
0x81: {  	_ =	shalt  }
0x82: {  	_ =	shalt  }
0x83: {  	_ =	shalt  }
0x84: {  	_ =	shalt  }
0x85: {  	_ =	shalt  }
0x86: {  	_ =	shalt  }
0x87: {  	_ =	shalt  }
.Lfunc_end0:
.L_simem_size_0:
called_computation.2_lowered:
.L_overlay_start_0:
0x88: {  	s2 =	sld [smem:$0x3FD9]  }
0x89: {  	s3 =	sld [smem:$0x3FFE];
	_ =	sdelay $0x1  }
0x8a: {  	s1 =	srdreg.scid  }
0x8b: {  	s0 =	sand.u32 $0x1, s1  }
0x8c: {  	s17 =	sshll.u32 s0, $0xA;
	s2 =	sadd.s32 s3, s2  }
0x8d: {  	s2 =	sadd.s32 s2, s17  }
0x8e: {  	[smem:$0x3FC2] =	sst s2  }
0x8f: {  	_ = 	snop  }
0x90: {  	s2 =	sld [smem:$0x3FD0];
	(tm) =	ssettm $0x1  }
0x91: {  	s18 =	sld [smem:$0x3FFB];
	_ =	sdelay $0x3  }
0x92: {  	_ =	strace s18  }
0x93: {  	s3 =	sld [smem:$0x3FFC];
	_ =	sdelay $0x3  }
0x94: {  	_ =	strace s3  }
0x95: {  	s3 =	sld [smem:$0x3FFD];
	_ =	sdelay $0x3  }
0x96: {  	_ =	strace s3  }
0x97: {  	_ =	strace $0x8FFFFFFF  }
0x98: {  	s19 =	sld [smem:$0x3FDB];
	_ =	sdelay $0x1  }
0x99: {  	s4 =	simm.s32 $_scs_section_size  }
0x9a: {  	s5 =	simm.s32 $_size__tile_overlayer_lowered;
	s6 =	simm.s32 $_tile_overlayer_lowered  }
0x9b: {  	s22 =	simm.s32 $0x1BFF;
	s21 =	sshll.u32 s6, $0x1;
	s3 =	sadd.s32 s4, s19  }
0x9c: {  	s7 =	simm.s32 $0x0;
	s20 =	sshll.u32 s5, $0x1;
	s5 =	sadd.s32 s21, s3  }
0x9d: {  	[timem:s7], [sflag:s22] =	dma.local [hbm:s5], s20  }
0x9e: {  	_ =	swait.ge [sflag:s22], s20  }
0x9f: {  	s4 =	ssub.s32 $0x0, s20;
	[sflag:s22] =	ssyncset.done $0x0  }
0xa0: {  	[sflag:s22] =	ssyncadd.s32 s4;
	_ =	sdelay $0x1  }
0xa1: {  	s23 =	simm.s32 $0x1B8B  }
0xa2: {  	_ =	swait.ge [sflag:s23], $0x1  }
0xa3: {  	[sflag:s23] =	ssyncset.done $0x0  }
0xa4: {  	s25 =	simm.s32 $0x1B8E;
	s24 =	sld [smem:$0x3FFE];
	[sflag:s23] =	ssyncadd.s32 $0xFFFFFFFF  }
0xa5: {  	s26 =	simm.s32 $execute0_lowered;
	[smem:$0x3FD2] =	sst s25  }
0xa6: {  	s5 =	sshll.u32 s26, $0x1;
	_ =	strace $0x8000004C;
	[dreg:$0x1] =	wrdreg $0xFFFFFFFF  }
0xa7: {  	s28 =	simm.s32 $_size_execute0_lowered;
	s3 =	sadd.s32 s3, s5;
	[dreg:$0x0] =	wrdreg $0x0  }
0xa8: {  	s5 =	sshll.u32 s28, $0x1;
	[dreg:$0x2] =	wrdreg s3  }
0xa9: {  	[dreg:$0x3] =	wrdreg s5  }
0xaa: {  	[dreg:$0x4] =	wrdreg $0xC0  }
0xab: {  	_ =	task [dreg:s7], $0x5FFFF  }
0xac: {  	[dreg:$0x1] =	wrdreg $0xFFFFFFFF  }
0xad: {  	[dreg:$0x0] =	wrdreg $0x60  }
0xae: {  	[dreg:$0x2] =	wrdreg s24  }
0xaf: {  	[dreg:$0x3] =	wrdreg s2  }
0xb0: {  	[dreg:$0x4] =	wrdreg $0xB7800  }
0xb1: {  	[dreg:$0x5] =	wrdreg $0x9  }
0xb2: {  	_ =	task.clear_ibuf [dreg:s7], $0x6FFFF;
	_ =	strace $0x9000004C  }
0xb3: {  	s29 =	simm.s32 $0x9;
	_ =	strace $0x8000004E  }
0xb4: {  	_ =	swait.ge [sflag:s29], $0x1  }
0xb5: {  	[sflag:s29] =	ssyncadd.s32 $0xFFFFFFFF  }
0xb6: {  	_ =	strace $0x9000004E  }
0xb7: {  	_ =	sfence  }
0xb8: {  	s30 =	sld [smem:$0x0];
	_ =	sdelay $0x2  }
0xb9: {  	s31 =	sshll.u32 s1, $0xD;
	s1 =	sshrl.u32 s1, $0x2  }
0xba: {  	s3 =	sand.u32 $0x4000, s31;
	s1 =	sadd.s32 s1, s30  }
0xbb: {  	s0 =	sor.u32 s3, s0;
	s1 =	sshll.u32 s1, $0x11  }
0xbc: {  	s0 =	sor.u32 s1, s0  }
0xbd: {  	s0 =	sadd.s32 $0x8F2B, s0  }
0xbe: {  	[sflag:s0] =	ssyncadd.remote.s32 $0x1  }
0xbf: {  	_ =	sfence.sel $0xFFFF  }
0xc0: {  	[dreg:$0x0] =	wrdreg $0xFFFFFFFF;
	(pc) =	sbr.abs _section_cstart, $3  }
0xc1: {  	[dreg:$0x1] =	wrdreg $0xFFFFFFFF  }
0xc2: {  	_ =	task.clear_ibuf [dreg:s7], $0x2FFFF;
	_ =	strace $0x9FFFFFFF  }
0xc3: {  	(tm) =	ssettm $0x7FFFFFFF  }
tec
execute0_lowered:
.L_overlay_start_1:
0x0: {  	(tag) =	ssettag $0x1  }
0x1: {  	s6 =	rddreg [dreg:$0x0]  }
0x2: {  	s2 =	rddreg [dreg:$0x1]  }
0x3: {  	s0 =	srdreg.scid;
	s3 =	rddreg [dreg:$0x2];
	s4 =	simm.s32 $0x0  }
0x4: {  	s13 =	simm.s32 $0x2780;
	s16 =	simm.s32 $0x50;
	s17 =	simm.s32 $0x6780  }
0x5: {  	s18 =	simm.s32 $0x2;
	s19 =	simm.s32 $0x8F80;
	s20 =	simm.s32 $0x4  }
0x6: {  	s21 =	simm.s32 $0x3;
	s22 =	simm.s32 $0x6580;
	s5 =	sand.u32 $0x1, s0  }
0x7: {  	s23 =	simm.s32 $0x0;
	s0 =	stileid.u32;
	s30 =	smul.u32 $0x138800, s5  }
0x8: {  	[smem:$0x7FF] =	sst s4;
	s1 =	sshll.u32 s5, $0x4;
	s10 =	smul.u32 $0x1F400, s0  }
0x9: {  	s9 =	sshll.u32 s0, $0x7;
	s31 =	ssub.s32 $0x2, s5;
	s11 =	smul.u32 $0x7D000, s0  }
0xa: {  	s5 =	sadd.s32 $0x2A00, s6;
	p0 =	sgt.u32 s0, $0x9;
	s7 =	sor.u32 s0, s1  }
0xb: {  	s9 =	sand.u32 $0x380, s9;
	s12 =	sshrl.u32 s31, $0x1;
	s14 =	sshll.u32 @!p0 s0, $0x6  }
0xc: {  	s1 =	sshrl.u32 s7, $0x3;
	s7 =	sshll.u32 s7, $0xB;
	s11 =	sshrl.u32 s11, $0x2  }
0xd: {  	s14 =	sor.u32 @!p0 $0x1C04, s14;
	s8 =	smul.u32 $0x13C00, s1;
	s1 =	rddreg [dreg:$0x3]  }
0xe: {  	_ =	strace $0x8000004D;
	s7 =	sadd.s32 s7, s6;
	s15 =	sadd.s32 s11, s3  }
0xf: {  	s11 =	simm.s32 $0x400;
	s7 =	sadd.s32 $0xC800, s7;
	s8 =	sor.u32 s9, s8  }
0x10: {  	s15 =	sshrl.u32 @!p0 s15, $0x3;
	s9 =	sadd.s32 s10, s30;
	s8 =	sshrl.u32 s8, $0x3  }
0x11: {  	s10 =	ssub.s32 s31, s12;
	s9 =	sshrl.u32 s9, $0x3;
	s8 =	sadd.s32 s8, s6  }
0x12: {  	s12 =	simm.s32 $0x1;
	s9 =	sadd.s32 s9, s6;
	s6 =	sadd.s32 $0x1C800, s8  }
0x13: {  	s8 =	sadd.s32 $0x26600, s9;
	s9 =	smax.u32 s10, $0x1;
	s10 =	simm.s32 $0x80  }
.LBB2_1:
0x14: {  	[tilespmem:s4], [sflag:$0x1] =	stream.strided.gather [hbm4b:s6+s10], $0x2780, s11, s10, $0x38;
	[tilespmem:$0x1F000] =	vst v63  }
0x15: {  	_ =	swait.ge [sflag:s12], $0x2780  }
0x16: {  	[sflag:s12] =	ssyncset.done $0x0  }
0x17: {  	[sflag:s12] =	ssyncadd.s32 $0xFFFFD880  }
0x18: {  	[tilespmem:s13], [sflag:$0x1] =	stream.linear.gather [hbm4b:s7+s4], $0x3E80, $0x38;
	[tilespmem:$0x1F000] =	vst v63  }
0x19: {  	_ =	swait.ge [sflag:s12], $0x3E80  }
0x1a: {  	[sflag:s12] =	ssyncset.done $0x0  }
0x1b: {  	s24 =	simm.s32 @!p0 $0x4;
	[sflag:s12] =	ssyncadd.s32 $0xFFFFC180  }
0x1c: {  	[spmem:s15], [sflag:s14] =	dma.local @!p0 [hbm:s5], $0x3E80  }
0x1d: {  	_ =	swait.ge @!p0 [sflag:s24], $0x3E80  }
0x1e: {  	[sflag:s24] =	ssyncset.done @!p0 $0x0  }
0x1f: {  	[sflag:s24] =	ssyncadd.s32 @!p0 $0xFFFFC180  }
0x20: {  	[bflag:$0x0] =	sbarrier.arrive $0xFFFF  }
0x21: {  	[tilespmem:s17], [sflag:$0x2] =	stream.indirect.gather [hbm4b:s2+s16], $0x80, s4, s16, $0xb8;
	[tilespmem:$0x1F000] =	vst v63  }
0x22: {  	_ =	swait.ge [sflag:s18], $0x2800  }
0x23: {  	[sflag:s18] =	ssyncset.done $0x0  }
0x24: {  	s30 =	simm.s32 $0x50;
	[sflag:s18] =	ssyncadd.s32 $0xFFFFD800  }
0x25: {  	[tilespmem:s19], [sflag:$0x3] =	stream.indirect.gather [hbm4b:s2+s16], $0x80, s30, s16, $0xb8;
	[tilespmem:$0x1F000] =	vst v63  }
0x26: {  	s31 =	simm.s32 $0x2780  }
0x27: {  	[spmem:s3] =	stream.indirect.scatter.add.f32 [tilespmem:s17], [sflag:$0x4], $0x80, s31, s16, $0xb8;
	[tilespmem:$0x1F000] =	vst v63  }
0x28: {  	_ =	swait.ge [sflag:s20], $0x2800  }
0x29: {  	[sflag:s20] =	ssyncset.done $0x0  }
0x2a: {  	[sflag:s20] =	ssyncadd.s32 $0xFFFFD800  }
0x2b: {  	_ =	swait.ge [sflag:s21], $0x2800  }
0x2c: {  	[sflag:s21] =	ssyncset.done $0x0  }
0x2d: {  	s24 =	simm.s32 $0xA0;
	[sflag:s21] =	ssyncadd.s32 $0xFFFFD800  }
0x2e: {  	[tilespmem:s17], [sflag:$0x2] =	stream.indirect.gather [hbm4b:s2+s16], $0x80, s24, s16, $0xb8;
	[tilespmem:$0x1F000] =	vst v63  }
0x2f: {  	s25 =	simm.s32 $0x2800  }
0x30: {  	[spmem:s3] =	stream.indirect.scatter.add.f32 [tilespmem:s19], [sflag:$0x4], $0x80, s25, s16, $0xb8;
	[tilespmem:$0x1F000] =	vst v63  }
0x31: {  	_ =	swait.ge [sflag:s20], $0x2800  }
0x32: {  	s25 =	simm.s32 $0x400;
	[sflag:s20] =	ssyncset.done $0x0  }
.LBB2_2:
0x33: {  	p1 =	sne.s32 s25, $0xF400;
	[sflag:s20] =	ssyncadd.s32 $0xFFFFD800;
	s24 =	sadd.s32 $0xA0, s24  }
0x34: {  	s26 =	smov.u32 s25;
	s25 =	sadd.s32 $0x400, s25  }
0x35: {  	_ =	swait.ge [sflag:s18], $0x2800  }
0x36: {  	[sflag:s18] =	ssyncset.done $0x0  }
0x37: {  	s28 =	sadd.s32 $0xFFFFFFB0, s24;
	s26 =	sshra.s32 s26, $0x2;
	[sflag:s18] =	ssyncadd.s32 $0xFFFFD800  }
0x38: {  	[tilespmem:s19], [sflag:$0x3] =	stream.indirect.gather [hbm4b:s2+s16], $0x80, s28, s16, $0xb8;
	[tilespmem:$0x1F000] =	vst v63  }
0x39: {  	s28 =	sadd.s32 $0x2780, s26  }
0x3a: {  	[spmem:s3] =	stream.indirect.scatter.add.f32 [tilespmem:s17], [sflag:$0x4], $0x80, s28, s16, $0xb8;
	[tilespmem:$0x1F000] =	vst v63  }
0x3b: {  	_ =	swait.ge [sflag:s20], $0x2800  }
0x3c: {  	[sflag:s20] =	ssyncset.done $0x0  }
0x3d: {  	[sflag:s20] =	ssyncadd.s32 $0xFFFFD800  }
0x3e: {  	_ =	swait.ge [sflag:s21], $0x2800  }
0x3f: {  	[sflag:s21] =	ssyncset.done $0x0  }
0x40: {  	[sflag:s21] =	ssyncadd.s32 $0xFFFFD800  }
0x41: {  	[tilespmem:s17], [sflag:$0x2] =	stream.indirect.gather [hbm4b:s2+s16], $0x80, s24, s16, $0xb8;
	[tilespmem:$0x1F000] =	vst v63  }
.Ltmp0:
0x42: {  	_ = 	snop;
	(pc) =	sbr.rel @p1 .LBB2_2-.Ltmp0, $4  }
0x43: {  	s26 =	sadd.s32 $0x2800, s26  }
0x44: {  	[spmem:s3] =	stream.indirect.scatter.add.f32 [tilespmem:s19], [sflag:$0x4], $0x80, s26, s16, $0xb8;
	[tilespmem:$0x1F000] =	vst v63  }
0x45: {  	_ =	swait.ge [sflag:s20], $0x2800  }
0x46: {  	[sflag:s20] =	ssyncset.done $0x0  }
0x47: {  	[sflag:s20] =	ssyncadd.s32 $0xFFFFD800  }
0x48: {  	_ =	swait.ge [sflag:s18], $0x2800  }
0x49: {  	[sflag:s18] =	ssyncset.done $0x0  }
0x4a: {  	[sflag:s18] =	ssyncadd.s32 $0xFFFFD800  }
0x4b: {  	[spmem:s3] =	stream.indirect.scatter.add.f32 [tilespmem:s17], [sflag:$0x4], $0x80, s22, s16, $0xb8;
	[tilespmem:$0x1F000] =	vst v63  }
0x4c: {  	_ =	swait.ge [sflag:s20], $0x2800  }
0x4d: {  	s23 =	sadd.s32 $0x1, s23;
	[sflag:s20] =	ssyncset.done $0x0  }
0x4e: {  	p1 =	sne.s32 s23, s9;
	[sflag:s20] =	ssyncadd.s32 $0xFFFFD800  }
.Ltmp1:
0x4f: {  	s24 =	simm.s32 @!p0 $0x4;
	[bflag:$0x0] =	sbarrier.arrive $0xFFFF;
	(pc) =	sbr.rel @p1 .LBB2_1-.Ltmp1, $4  }
0x50: {  	[hbm:s8], [sflag:s14] =	dma.local @!p0 [spmem:s15], $0x3E80  }
0x51: {  	_ =	swait.ge @!p0 [sflag:s24], $0x3E80  }
0x52: {  	[sflag:s24] =	ssyncset.done @!p0 $0x0  }
0x53: {  	[sflag:s24] =	ssyncadd.s32 @!p0 $0xFFFFC180  }
0x54: {  	_ =	sfence.sel $0x180000  }
0x55: {  	[bflag:$0x0] =	sbarrier.arrive $0xFFFF  }
0x56: {  	p0 =	sne.s32 s0, $0x0;
	_ =	strace $0x9000004D  }
0x57: {  	s0 =	sadd.s32 @!p0 $0x100000, s1;
	[bflag:$0x2] =	sbarrier.arrive $0xFFFF  }
0x58: {  	[sflag:s0] =	ssyncadd.tile.s32 @!p0 $0x1;
	_ =	shalt  }
.Lfunc_end2:
_tile_overlayer_lowered:
.L_overlay_start_2:
0x59: {  	(tag) =	ssettag $0x2  }
0x5a: {  	s0 =	rddreg [dreg:$0x0];
	s2 =	stileid.u32  }
0x5b: {  	s1 =	rddreg [dreg:$0x1];
	p0 =	sne.s32 s2, $0x0  }
0x5c: {  	s3 =	rddreg [dreg:$0x2];
	[bflag:$0x3] =	sbarrier.arrive $0xFFFF;
	s2 =	simm.s32 @!p0 $0x1C04  }
0x5d: {  	[timem:s3], [sflag:s2] =	dma.local @!p0 [hbm:s0], s1  }
0x5e: {  	s0 =	simm.s32 @!p0 $0x4  }
0x5f: {  	_ =	swait.ge @!p0 [sflag:s0], s1  }
0x60: {  	s1 =	ssub.s32 @!p0 $0x0, s1;
	[sflag:s0] =	ssyncset.done @!p0 $0x0  }
0x61: {  	[sflag:s0] =	ssyncadd.s32 @!p0 s1  }
0x62: {  	[bflag:$0x3] =	sbarrier.arrive $0xFFFF  }
0x63: {  	_ =	shalt  }

// kernel: kernel.8.cloned.1.call-start
scs
__scs_entry_jumppad:
0x0: {  	(pc) =	sbr.rel $0x88, $3  }
0x1: {  	(tag) =	ssettag $0x0;
	lr =	simm.s32 $0x1  }
0x2: {  	[smem:$0x3F9B] =	sst lr;
	_ =	strace $0xD0000000  }
0x3: {  	_ = 	snop  }
0x4: {  	_ = 	snop  }
0x5: {  	_ = 	snop  }
0x6: {  	_ = 	snop  }
0x7: {  	_ = 	snop  }
__scs_overlays_trampoline_lowered:
0x8: {  	[smem:$0x3FAA] =	sst s0  }
0x9: {  	[smem:$0x3FAB] =	sst s1  }
0xa: {  	[smem:$0x3FAC] =	sst s2  }
0xb: {  	[smem:$0x3FAD] =	sst s3  }
0xc: {  	[smem:$0x3FAE] =	sst s4  }
0xd: {  	[smem:$0x3FAF] =	sst s5  }
0xe: {  	[smem:$0x3FB0] =	sst s6  }
0xf: {  	[smem:$0x3FB1] =	sst s7  }
0x10: {  	[smem:$0x3FB2] =	sst s8  }
0x11: {  	[smem:$0x3FB3] =	sst s9;
	s0 =	simm.s32 @!p0 $0x0  }
0x12: {  	s1 =	sld [smem:$0x3F99];
	s0 =	simm.s32 @p0 $0x1  }
0x13: {  	[smem:$0x3FB4] =	sst s0;
	s0 =	simm.s32 @!p1 $0x0  }
0x14: {  	s2 =	sld [smem:$0x3F98];
	s0 =	simm.s32 @p1 $0x1  }
0x15: {  	[smem:$0x3FB5] =	sst s0;
	s0 =	simm.s32 @!p2 $0x0  }
0x16: {  	s3 =	sld [smem:$0x3FDB];
	s0 =	simm.s32 @p2 $0x1  }
0x17: {  	s4 =	simm.s32 $0x1BF5;
	[smem:$0x3FB7] =	sst s0  }
0x18: {  	s0 =	sld [smem:$0x3F9A];
	_ =	swait.ge [sflag:s4], $0x0  }
0x19: {  	s7 =	sld [smem:$0x3F9B]  }
0x1a: {  	s8 =	sadd.s32 $0xFFFFE003, lr  }
0x1b: {  	s9 =	sadd.s32 $0xFFFFFEF7, lr;
	s5 =	simm.s32 $0xFFFFFFFF;
	p2 =	slt.u32 s8, $0xFFFFF086  }
0x1c: {  	p1 =	slt.u32 s9, $0xF7A;
	s5 =	simm.s32 @!p2 $0x0  }
0x1d: {  	s5 =	simm.s32 @p1 $0x1;
	p0 =	seq.s32 s7, s2  }
0x1e: {  	s7 =	smul.u32 @!p0 $0xF7A, s2;
	p2 =	seq.s32 @!p0 s5, $0x0  }
0x1f: {  	s9 =	smul.u32 $0xF7A, s1;
	s8 =	simm.s32 @!p0 $0x1BF5;
	p2 =	por !p2, p0  }
0x20: {  	[sflag:s8] =	ssyncset.s32 @!p0 $0xFFFFF086;
	s6 =	sadd.s32 @!p0 s3, s7;
	s7 =	simm.s32 @!p0 $0x108  }
0x21: {  	s3 =	sadd.s32 s3, s9;
	s6 =	sadd.s32 @!p0 $0x88, s6;
	s7 =	simm.s32 @p2 $0x1082  }
0x22: {  	[simem:s7], [sflag:s8] =	dma.local @!p0 [hbm:s6], $0xF7A  }
0x23: {  	s9 =	sor.u32 $0xD0000000, s2;
	s6 =	simm.s32 $0x108;
	_ =	swait.ge @!p0 [sflag:s8], $0x0  }
0x24: {  	s3 =	sadd.s32 $0x88, s3;
	s6 =	simm.s32 @!p1 $0x1082;
	[sflag:s4] =	ssyncset.s32 $0xFFFFF086  }
0x25: {  	[simem:s6], [sflag:s4] =	dma.local [hbm:s3], $0xF7A  }
0x26: {  	[smem:$0x3F9B] =	sst s1;
	(tag) =	ssettag s2;
	_ =	strace s9  }
0x27: {  	s1 =	sld [smem:$0x3FAB]  }
0x28: {  	s2 =	sld [smem:$0x3FAC]  }
0x29: {  	s4 =	sld [smem:$0x3FAE]  }
0x2a: {  	p0 =	seq.s32 s5, $0x0;
	s5 =	sld [smem:$0x3FAF]  }
0x2b: {  	s6 =	sld [smem:$0x3FB0]  }
0x2c: {  	s7 =	sld [smem:$0x3FB1]  }
0x2d: {  	s3 =	simm.s32 $0x108;
	s8 =	sld [smem:$0x3FB2]  }
0x2e: {  	s3 =	simm.s32 @!p0 $0x1082;
	s9 =	sld [smem:$0x3FB3]  }
0x2f: {  	lr =	sadd.s32 s0, s3;
	s0 =	sld [smem:$0x3FAA]  }
0x30: {  	s3 =	sld [smem:$0x3FAD]  }
0x31: {  	[smem:$0x3FB6] =	sst s10  }
0x32: {  	s10 =	sld [smem:$0x3FB4];
	_ =	sdelay $0x3  }
0x33: {  	p0 =	seq.s32 s10, $0x1;
	s10 =	sld [smem:$0x3FB6];
	_ =	sdelay $0x3  }
0x34: {  	[smem:$0x3FB6] =	sst s10  }
0x35: {  	s10 =	sld [smem:$0x3FB5];
	_ =	sdelay $0x3  }
0x36: {  	p1 =	seq.s32 s10, $0x1;
	s10 =	sld [smem:$0x3FB6];
	_ =	sdelay $0x3  }
0x37: {  	[smem:$0x3FB6] =	sst s10  }
0x38: {  	s10 =	sld [smem:$0x3FB7]  }
0x39: {  	_ = 	snop;
	(pc) =	sbr.ind lr, $3  }
0x3a: {  	_ = 	snop  }
0x3b: {  	_ = 	snop  }
0x3c: {  	p2 =	seq.s32 s10, $0x1;
	s10 =	sld [smem:$0x3FB6]  }
0x3d: {  	_ =	shalt  }
0x3e: {  	_ =	shalt  }
0x3f: {  	_ =	shalt  }
0x40: {  	_ =	shalt  }
0x41: {  	_ =	shalt  }
0x42: {  	_ =	shalt  }
0x43: {  	_ =	shalt  }
0x44: {  	_ =	shalt  }
0x45: {  	_ =	shalt  }
0x46: {  	_ =	shalt  }
0x47: {  	_ =	shalt  }
0x48: {  	_ =	shalt  }
0x49: {  	_ =	shalt  }
0x4a: {  	_ =	shalt  }
0x4b: {  	_ =	shalt  }
0x4c: {  	_ =	shalt  }
0x4d: {  	_ =	shalt  }
0x4e: {  	_ =	shalt  }
0x4f: {  	_ =	shalt  }
0x50: {  	_ =	shalt  }
0x51: {  	_ =	shalt  }
0x52: {  	_ =	shalt  }
0x53: {  	_ =	shalt  }
0x54: {  	_ =	shalt  }
0x55: {  	_ =	shalt  }
0x56: {  	_ =	shalt  }
0x57: {  	_ =	shalt  }
0x58: {  	_ =	shalt  }
0x59: {  	_ =	shalt  }
0x5a: {  	_ =	shalt  }
0x5b: {  	_ =	shalt  }
0x5c: {  	_ =	shalt  }
0x5d: {  	_ =	shalt  }
0x5e: {  	_ =	shalt  }
0x5f: {  	_ =	shalt  }
0x60: {  	_ =	shalt  }
0x61: {  	_ =	shalt  }
0x62: {  	_ =	shalt  }
0x63: {  	_ =	shalt  }
0x64: {  	_ =	shalt  }
0x65: {  	_ =	shalt  }
0x66: {  	_ =	shalt  }
0x67: {  	_ =	shalt  }
0x68: {  	_ =	shalt  }
0x69: {  	_ =	shalt  }
0x6a: {  	_ =	shalt  }
0x6b: {  	_ =	shalt  }
0x6c: {  	_ =	shalt  }
0x6d: {  	_ =	shalt  }
0x6e: {  	_ =	shalt  }
0x6f: {  	_ =	shalt  }
0x70: {  	_ =	shalt  }
0x71: {  	_ =	shalt  }
0x72: {  	_ =	shalt  }
0x73: {  	_ =	shalt  }
0x74: {  	_ =	shalt  }
0x75: {  	_ =	shalt  }
0x76: {  	_ =	shalt  }
0x77: {  	_ =	shalt  }
0x78: {  	_ =	shalt  }
0x79: {  	_ =	shalt  }
0x7a: {  	_ =	shalt  }
0x7b: {  	_ =	shalt  }
0x7c: {  	_ =	shalt  }
0x7d: {  	_ =	shalt  }
0x7e: {  	_ =	shalt  }
0x7f: {  	_ =	shalt  }
0x80: {  	_ =	shalt  }
0x81: {  	_ =	shalt  }
0x82: {  	_ =	shalt  }
0x83: {  	_ =	shalt  }
0x84: {  	_ =	shalt  }
0x85: {  	_ =	shalt  }
0x86: {  	_ =	shalt  }
0x87: {  	_ =	shalt  }
.Lfunc_end0:
.L_simem_size_0:
called_computation_lowered:
.L_overlay_start_0:
0x88: {  	s2 =	sld [smem:$0x3FD9]  }
0x89: {  	s3 =	sld [smem:$0x3FFE];
	_ =	sdelay $0x1  }
0x8a: {  	s1 =	srdreg.scid  }
0x8b: {  	s0 =	sand.u32 $0x1, s1  }
0x8c: {  	s17 =	sshll.u32 s0, $0xA;
	s2 =	sadd.s32 s3, s2  }
0x8d: {  	s2 =	sadd.s32 s2, s17  }
0x8e: {  	[smem:$0x3FC2] =	sst s2  }
0x8f: {  	_ = 	snop  }
0x90: {  	s2 =	sld [smem:$0x3FD0];
	(tm) =	ssettm $0x1  }
0x91: {  	s18 =	sld [smem:$0x3FFB];
	_ =	sdelay $0x3  }
0x92: {  	_ =	strace s18  }
0x93: {  	s3 =	sld [smem:$0x3FFC];
	_ =	sdelay $0x3  }
0x94: {  	_ =	strace s3  }
0x95: {  	s3 =	sld [smem:$0x3FFD];
	_ =	sdelay $0x3  }
0x96: {  	_ =	strace s3  }
0x97: {  	_ =	strace $0x8FFFFFFF  }
0x98: {  	s19 =	sld [smem:$0x3FDB];
	_ =	sdelay $0x1  }
0x99: {  	s4 =	simm.s32 $_scs_section_size  }
0x9a: {  	s5 =	simm.s32 $_size__tile_overlayer_lowered;
	s6 =	simm.s32 $_tile_overlayer_lowered  }
0x9b: {  	s22 =	simm.s32 $0x1BFF;
	s21 =	sshll.u32 s6, $0x1;
	s3 =	sadd.s32 s4, s19  }
0x9c: {  	s7 =	simm.s32 $0x0;
	s20 =	sshll.u32 s5, $0x1;
	s5 =	sadd.s32 s21, s3  }
0x9d: {  	[timem:s7], [sflag:s22] =	dma.local [hbm:s5], s20  }
0x9e: {  	_ =	swait.ge [sflag:s22], s20  }
0x9f: {  	s4 =	ssub.s32 $0x0, s20;
	[sflag:s22] =	ssyncset.done $0x0  }
0xa0: {  	[sflag:s22] =	ssyncadd.s32 s4;
	_ =	sdelay $0x1  }
0xa1: {  	s23 =	simm.s32 $0x1B8B  }
0xa2: {  	_ =	swait.ge [sflag:s23], $0x1  }
0xa3: {  	[sflag:s23] =	ssyncset.done $0x0  }
0xa4: {  	s25 =	simm.s32 $0x1B8E;
	s24 =	sld [smem:$0x3FFE];
	[sflag:s23] =	ssyncadd.s32 $0xFFFFFFFF  }
0xa5: {  	s26 =	simm.s32 $execute0_lowered;
	[smem:$0x3FD2] =	sst s25  }
0xa6: {  	s5 =	sshll.u32 s26, $0x1;
	_ =	strace $0x80000046;
	[dreg:$0x1] =	wrdreg $0xFFFFFFFF  }
0xa7: {  	s28 =	simm.s32 $_size_execute0_lowered;
	s3 =	sadd.s32 s3, s5;
	[dreg:$0x0] =	wrdreg $0x0  }
0xa8: {  	s5 =	sshll.u32 s28, $0x1;
	[dreg:$0x2] =	wrdreg s3  }
0xa9: {  	[dreg:$0x3] =	wrdreg s5  }
0xaa: {  	[dreg:$0x4] =	wrdreg $0xC0  }
0xab: {  	_ =	task [dreg:s7], $0x5FFFF  }
0xac: {  	[dreg:$0x1] =	wrdreg $0xFFFFFFFF  }
0xad: {  	[dreg:$0x0] =	wrdreg $0x60  }
0xae: {  	[dreg:$0x2] =	wrdreg s24  }
0xaf: {  	[dreg:$0x3] =	wrdreg s2  }
0xb0: {  	[dreg:$0x4] =	wrdreg $0x9  }
0xb1: {  	_ =	task.clear_ibuf [dreg:s7], $0x5FFFF;
	_ =	strace $0x90000046  }
0xb2: {  	s29 =	simm.s32 $0x9;
	_ =	strace $0x80000048  }
0xb3: {  	_ =	swait.ge [sflag:s29], $0x1  }
0xb4: {  	[sflag:s29] =	ssyncadd.s32 $0xFFFFFFFF  }
0xb5: {  	_ =	strace $0x90000048  }
0xb6: {  	_ =	sfence  }
0xb7: {  	s30 =	sld [smem:$0x0];
	_ =	sdelay $0x2  }
0xb8: {  	s31 =	sshll.u32 s1, $0xD;
	s1 =	sshrl.u32 s1, $0x2  }
0xb9: {  	s3 =	sand.u32 $0x4000, s31;
	s1 =	sadd.s32 s1, s30  }
0xba: {  	s0 =	sor.u32 s3, s0;
	s1 =	sshll.u32 s1, $0x11  }
0xbb: {  	s0 =	sor.u32 s1, s0  }
0xbc: {  	s0 =	sadd.s32 $0x8F2B, s0  }
0xbd: {  	[sflag:s0] =	ssyncadd.remote.s32 $0x1  }
0xbe: {  	_ =	sfence.sel $0xFFFF  }
0xbf: {  	[dreg:$0x0] =	wrdreg $0xFFFFFFFF;
	(pc) =	sbr.abs _section_cstart, $3  }
0xc0: {  	[dreg:$0x1] =	wrdreg $0xFFFFFFFF  }
0xc1: {  	_ =	task.clear_ibuf [dreg:s7], $0x2FFFF;
	_ =	strace $0x9FFFFFFF  }
0xc2: {  	(tm) =	ssettm $0x7FFFFFFF  }
0xc3: {  	_ =	shalt  }
tec
execute0_lowered:
.L_overlay_start_1:
0x0: {  	(tag) =	ssettag $0x1  }
0x1: {  	s4 =	rddreg [dreg:$0x0]  }
0x2: {  	s0 =	srdreg.scid;
	s5 =	rddreg [dreg:$0x1];
	s2 =	simm.s32 $0x0  }
0x3: {  	s10 =	simm.s32 $0x2;
	s11 =	simm.s32 $0x0;
	s3 =	sand.u32 $0x1, s0  }
0x4: {  	s0 =	stileid.u32;
	[smem:$0x7FF] =	sst s2;
	s1 =	sshll.u32 s3, $0x4  }
0x5: {  	s8 =	sshll.u32 s0, $0x7;
	s3 =	ssub.s32 $0x2, s3;
	s6 =	sor.u32 s0, s1  }
0x6: {  	s1 =	rddreg [dreg:$0x2];
	s7 =	sshrl.u32 s6, $0x3;
	s6 =	smul.u32 $0x4E2, s6  }
0x7: {  	s8 =	sand.u32 $0x380, s8;
	s9 =	sshrl.u32 s3, $0x1;
	s7 =	smul.u32 $0x13C00, s7  }
0x8: {  	_ =	strace $0x80000047;
	s31 =	ssub.s32 s3, s9;
	s9 =	simm.s32 $0x400  }
0x9: {  	s4 =	sadd.s32 s6, s4;
	s6 =	simm.s32 $0x2780;
	s7 =	sor.u32 s8, s7  }
0xa: {  	s3 =	sadd.s32 $0x2A00, s4;
	s8 =	simm.s32 $0x80;
	s7 =	sshrl.u32 s7, $0x3  }
0xb: {  	v0 =	vimm.f32 $0.0e+00;
	v1 =	vimm.f32 $1.000000000e+00;
	s4 =	sadd.s32 s5, s7;
	s5 =	smax.u32 s31, $0x1;
	s7 =	simm.s32 $0x1  }
.LBB2_1:
0xc: {  	[tilespmem:s6], [sflag:$0x1] =	stream.linear.gather [hbm4b:s3+s2], $0x2710, $0x38;
	[tilespmem:$0x4F00] =	vst v63  }
0xd: {  	_ =	swait.ge [sflag:s7], $0x2710  }
0xe: {  	[sflag:s7] =	ssyncset.done $0x0  }
0xf: {  	s12 =	simm.s32 $0x0;
	[sflag:s7] =	ssyncadd.s32 $0xFFFFD8F0  }
.LBB2_2:
0x10: {  	p0 =	sne.s32 s12, $0x9C00  }
.Ltmp0:
0x11: {  	_ = 	snop;
	(pc) =	sbr.rel @p0 .LBB2_2-.Ltmp0, $3  }
0x12: {  	_ =	sdelay $0x1  }
0x13: {  	s13 =	sshra.s32 s12, $0x2  }
0x14: {  	s12 =	sadd.s32 $0x40, s12;
	[tilespmem:s13+$0x0] =	vst v0  }
0x15: {  	s13 =	simm.s32 $0x0;
	s12 =	simm.s32 $0x40  }
.LBB2_4:
0x16: {  	p0 =	sne.s32 s12, $0x9C00;
	v2 =	vld [tilespmem:s13+$0x2780];
	_ =	sdelay $0x3  }
.Ltmp1:
0x17: {  	(pc) =	sbr.rel @p0 .LBB2_4-.Ltmp1, $2  }
0x18: {  	_ =	sdelay $0x2  }
0x19: {  	s13 =	sshra.s32 s12, $0x2;
	s12 =	sadd.s32 $0x40, s12;
	[tilespmem:v2+s2+$0x0] =	vst.idx.add.f32.msk $0xffff, v1  }
0x1a: {  	v2 =	vld [tilespmem:s13+$0x2780];
	_ =	sdelay $0x5  }
0x1b: {  	s11 =	sadd.s32 $0x1, s11  }
0x1c: {  	p0 =	sne.s32 s11, s5  }
.Ltmp2:
0x1d: {  	[tilespmem:v2+s2+$0x0] =	vst.idx.add.f32.msk $0xffff, v1;
	(pc) =	sbr.rel @p0 .LBB2_1-.Ltmp2, $4  }
0x1e: {  	[hbm4b:s4+s8] =	stream.strided.scatter [tilespmem:s2], [sflag:$0x2], $0x2780, s9, s8, $0x38;
	[tilespmem:$0x4F00] =	vst v63  }
0x1f: {  	_ =	swait.ge [sflag:s10], $0x2780  }
0x20: {  	[sflag:s10] =	ssyncset.done $0x0  }
0x21: {  	[sflag:s10] =	ssyncadd.s32 $0xFFFFD880  }
0x22: {  	_ =	sfence.sel $0x180000  }
0x23: {  	[bflag:$0x0] =	sbarrier.arrive $0xFFFF  }
0x24: {  	p0 =	sne.s32 s0, $0x0;
	_ =	strace $0x90000047  }
0x25: {  	s0 =	sadd.s32 @!p0 $0x100000, s1;
	[bflag:$0x2] =	sbarrier.arrive $0xFFFF  }
0x26: {  	[sflag:s0] =	ssyncadd.tile.s32 @!p0 $0x1;
	_ =	shalt  }
.Lfunc_end2:
_tile_overlayer_lowered:
.L_overlay_start_2:
0x27: {  	(tag) =	ssettag $0x2  }
0x28: {  	s0 =	rddreg [dreg:$0x0];
	s2 =	stileid.u32  }
0x29: {  	s1 =	rddreg [dreg:$0x1];
	p0 =	sne.s32 s2, $0x0  }
0x2a: {  	s3 =	rddreg [dreg:$0x2];
	[bflag:$0x3] =	sbarrier.arrive $0xFFFF;
	s2 =	simm.s32 @!p0 $0x1C02  }
0x2b: {  	[timem:s3], [sflag:s2] =	dma.local @!p0 [hbm:s0], s1  }
0x2c: {  	s0 =	simm.s32 @!p0 $0x2  }
0x2d: {  	_ =	swait.ge @!p0 [sflag:s0], s1  }
0x2e: {  	s1 =	ssub.s32 @!p0 $0x0, s1;
	[sflag:s0] =	ssyncset.done @!p0 $0x0  }
0x2f: {  	[sflag:s0] =	ssyncadd.s32 @!p0 s1  }
0x30: {  	[bflag:$0x3] =	sbarrier.arrive $0xFFFF  }
0x31: {  	_ =	shalt  }

</sc_bundles>
